<compile_context>
chip_gen: v7x
topology: tpu7x:2x2x1
jax: 0.10.2.dev20260603
libtpu: 0.0.44.dev20260713+nightly
codegen_flags: <defaults>
</compile_context>

<pallas_src>
import functools

import jax
import jax.numpy as jnp
from jax import lax
from jax.experimental import pallas as pl
from jax.experimental.pallas import tpu as pltpu
from jax.experimental.pallas import tpu_sc as plsc

NTYPES = 95
DIM = 128
N_NODES = 100000

NW = 32
BPW = 3120
MAIN = NW * BPW
CH = 104
NCH = BPW // CH
NBUF = 5
LEAD = 2
NGRP = NCH // NBUF
STAGE_ROWS = 8
TAIL = N_NODES - MAIN
TAIL_PER_W = 8
TAIL_WORKERS = TAIL // TAIL_PER_W

_mesh = plsc.VectorSubcoreMesh(core_axis_name="c", subcore_axis_name="s")


@functools.partial(
    pl.kernel,
    out_type=jax.ShapeDtypeStruct((N_NODES, DIM), jnp.float32),
    mesh=_mesh,
    scratch_types=[
        pltpu.VMEM((NCH, CH), jnp.int32),
        [pltpu.VMEM((CH, DIM), jnp.float32) for _ in range(NBUF)],
        pltpu.VMEM((TAIL_PER_W,), jnp.int32),
        pltpu.VMEM((TAIL_PER_W, DIM), jnp.float32),
        pltpu.VMEM((STAGE_ROWS, DIM), jnp.float32),
        pltpu.VMEM_SHARED((NTYPES, DIM), jnp.float32),
        [pltpu.SemaphoreType.DMA for _ in range(NBUF)],
        [pltpu.SemaphoreType.DMA for _ in range(NBUF)],
        pltpu.SemaphoreType.DMA,
    ],
)
def _emb_lookup(idx3d_hbm, tail_hbm, table_hbm, out_hbm,
                idx_v, rows, tidx_v, trows_v, table_l, table_sh,
                gsem, ssem, psem):
    wid = lax.axis_index("s") * 2 + lax.axis_index("c")
    base = pl.multiple_of(wid * BPW, 8)

    pltpu.async_copy(idx3d_hbm.at[wid], idx_v, psem)

    sid = lax.axis_index("s")

    @pl.when(sid < NTYPES // STAGE_ROWS)
    def _stage_full():
        srow = pl.multiple_of(sid * STAGE_ROWS, 8)
        pltpu.sync_copy(table_hbm.at[pl.ds(srow, STAGE_ROWS)], table_l)
        pltpu.sync_copy(table_l, table_sh.at[pl.ds(srow, STAGE_ROWS)])

    @pl.when(sid == NTYPES // STAGE_ROWS)
    def _stage_rest():
        rest = NTYPES % STAGE_ROWS
        srow = (NTYPES // STAGE_ROWS) * STAGE_ROWS
        pltpu.sync_copy(table_hbm.at[pl.ds(srow, rest)], table_l.at[pl.ds(0, rest)])
        pltpu.sync_copy(table_l.at[pl.ds(0, rest)], table_sh.at[pl.ds(srow, rest)])

    plsc.subcore_barrier()
    pltpu.make_async_copy(idx3d_hbm.at[wid], idx_v, psem).wait()

    def gather(c, b):
        pltpu.async_copy(table_sh.at[idx_v.at[c]], rows[b], gsem[b])

    def store(c, b):
        off = pl.multiple_of(base + c * CH, 8)
        pltpu.async_copy(rows[b], out_hbm.at[pl.ds(off, CH)], ssem[b])

    def wait_gather(b):
        pltpu.make_async_copy(table_sh.at[idx_v.at[0]], rows[b], gsem[b]).wait()

    def wait_store(b):
        pltpu.make_async_copy(rows[b], out_hbm.at[pl.ds(0, CH)], ssem[b]).wait()

    is_tail_worker = wid < TAIL_WORKERS

    @pl.when(is_tail_worker)
    def _tail_start():
        pltpu.sync_copy(tail_hbm.at[pl.ds(wid * TAIL_PER_W, TAIL_PER_W)], tidx_v)
        pltpu.async_copy(table_sh.at[tidx_v], trows_v, psem)

    for b in range(LEAD):
        gather(b, b)

    for b in range(NBUF):
        bg = (b + LEAD) % NBUF
        if b + LEAD - NBUF >= 0:
            wait_store(bg)
        gather(b + LEAD, bg)
        wait_gather(b)
        store(b, b)

    def body(g, carry):
        for b in range(NBUF):
            c = g * NBUF + b
            bg = (b + LEAD) % NBUF
            wait_store(bg)
            gather(c + LEAD, bg)
            wait_gather(b)
            store(c, b)
        return carry

    lax.fori_loop(1, NGRP - 1, body, 0)

    for b in range(NBUF):
        c = (NGRP - 1) * NBUF + b
        bg = (b + LEAD) % NBUF
        wait_store(bg)
        if c + LEAD < NCH:
            gather(c + LEAD, bg)
        wait_gather(b)
        store(c, b)

    @pl.when(is_tail_worker)
    def _tail_finish():
        toff = pl.multiple_of(MAIN + wid * TAIL_PER_W, 8)
        pltpu.make_async_copy(table_sh.at[tidx_v], trows_v, psem).wait()
        pltpu.sync_copy(trows_v, out_hbm.at[pl.ds(toff, TAIL_PER_W)])

    for k in range(NCH - (NBUF - LEAD), NCH):
        wait_store(k % NBUF)


def kernel(node_attr, embedding_table):
    idx = node_attr.astype(jnp.int32)
    idx_main = idx[:MAIN].reshape(NW, NCH, CH)
    idx_tail = idx[MAIN:]
    return _emb_lookup(idx_main, idx_tail, embedding_table)

# --- scband reference (transcript-rebuilt; emitter-appended) ---
"""Pipeline reference for scband-embedding-block-77833397338533 (READ-ONLY COPY).

The authoritative reference and input builder live on the scoring server;
editing this copy changes nothing except your own understanding.
"""

import jax, jax.numpy as jnp
import numpy as np

NTYPES = 95
DIM = 128
N_NODES = 100000

def setup_inputs(seed: int = 0) -> dict:
    key = jax.random.key(seed)
    k_idx, k_tab = jax.random.split(key)
    node_attr = jax.random.randint(k_idx, (N_NODES,), 0, NTYPES, dtype=jnp.int64)
    # nn.Embedding default init: N(0, 1)
    embedding_table = jax.random.normal(k_tab, (NTYPES, DIM), dtype=jnp.float32)
    return {"node_attr": node_attr, "embedding_table": embedding_table}

def reference(node_attr, embedding_table):
    # ntypes_node is not None -> plain embedding lookup (no activation applied)
    node_feat = jnp.take(embedding_table, node_attr, axis=0)
    return node_feat

if __name__ == "__main__":
    import jax
    _d = setup_inputs()
    print(jax.jit(kernel)(*tuple(_d.values())))

</pallas_src>

<mosaic_0001>
#map = affine_map<(d0, d1) -> (0, 0, 0)>
#map1 = affine_map<(d0, d1) -> (0)>
#map2 = affine_map<(d0, d1) -> (0, 0)>
module attributes {stable_mosaic.version = 14 : i64} {
  func.func @_emb_lookup(%arg0: i32, %arg1: i32, %arg2: memref<32x30x104xi32, #tpu.memory_space<hbm>>, %arg3: memref<160xi32, #tpu.memory_space<hbm>>, %arg4: memref<95x128xf32, #tpu.memory_space<hbm>>, %arg5: memref<100000x128xf32, #tpu.memory_space<hbm>>, %arg6: memref<30x104xi32, #tpu.memory_space<vmem>>, %arg7: memref<104x128xf32, #tpu.memory_space<vmem>>, %arg8: memref<104x128xf32, #tpu.memory_space<vmem>>, %arg9: memref<104x128xf32, #tpu.memory_space<vmem>>, %arg10: memref<104x128xf32, #tpu.memory_space<vmem>>, %arg11: memref<104x128xf32, #tpu.memory_space<vmem>>, %arg12: memref<8xi32, #tpu.memory_space<vmem>>, %arg13: memref<8x128xf32, #tpu.memory_space<vmem>>, %arg14: memref<8x128xf32, #tpu.memory_space<vmem>>, %arg15: memref<95x128xf32, #tpu.memory_space<vmem_shared>>, %arg16: memref<!tpu.dma_semaphore, #tpu.memory_space<semaphore_mem>>, %arg17: memref<!tpu.dma_semaphore, #tpu.memory_space<semaphore_mem>>, %arg18: memref<!tpu.dma_semaphore, #tpu.memory_space<semaphore_mem>>, %arg19: memref<!tpu.dma_semaphore, #tpu.memory_space<semaphore_mem>>, %arg20: memref<!tpu.dma_semaphore, #tpu.memory_space<semaphore_mem>>, %arg21: memref<!tpu.dma_semaphore, #tpu.memory_space<semaphore_mem>>, %arg22: memref<!tpu.dma_semaphore, #tpu.memory_space<semaphore_mem>>, %arg23: memref<!tpu.dma_semaphore, #tpu.memory_space<semaphore_mem>>, %arg24: memref<!tpu.dma_semaphore, #tpu.memory_space<semaphore_mem>>, %arg25: memref<!tpu.dma_semaphore, #tpu.memory_space<semaphore_mem>>, %arg26: memref<!tpu.dma_semaphore, #tpu.memory_space<semaphore_mem>>) attributes {dimension_semantics = [#tpu.dimension_semantics<core_parallel>, #tpu.dimension_semantics<subcore_parallel>], iteration_bounds = array<i64: 2, 16>, scalar_prefetch = 0 : i64, scratch_operands = 21 : i64, tpu.core_type = #tpu.core_type<sc_vector_subcore>, window_params = [{transform_indices = #map}, {transform_indices = #map1}, {transform_indices = #map2}, {transform_indices = #map2}]} {
    %mul3A = arith.constant 2 : i32
    %mul3A_0 = arith.muli %arg1, %mul3A : i32
    %add3A = arith.addi %mul3A_0, %arg0 : i32
    %mul3A_1 = arith.constant 3120 : i32
    %mul3A_2 = arith.muli %add3A, %mul3A_1 : i32
    %multiple_of3A = tpu.assume_multiple %mul3A_2, 8 : i32
    %dma_start3A = arith.constant 0 : i32
    %dma_start3A_3 = arith.constant 0 : i32
    %dma_start3A_4 = tpu.memref_slice %arg2[%add3A, %dma_start3A, %dma_start3A_3] : memref<32x30x104xi32, #tpu.memory_space<hbm>> -> memref<1x30x104xi32, #tpu.memory_space<hbm>>
    %dma_start3A_5 = tpu.memref_squeeze %dma_start3A_4 : memref<1x30x104xi32, #tpu.memory_space<hbm>> -> memref<30x104xi32, #tpu.memory_space<hbm>>
    %dma_start3A_6 = arith.constant 0 : i32
    %dma_start3A_7 = arith.constant 0 : i32
    %dma_start3A_8 = tpu.memref_slice %arg2[%add3A, %dma_start3A_6, %dma_start3A_7] : memref<32x30x104xi32, #tpu.memory_space<hbm>> -> memref<1x30x104xi32, #tpu.memory_space<hbm>>
    %dma_start3A_9 = tpu.memref_squeeze %dma_start3A_8 : memref<1x30x104xi32, #tpu.memory_space<hbm>> -> memref<30x104xi32, #tpu.memory_space<hbm>>
    tpu.enqueue_dma source(%dma_start3A_9 : memref<30x104xi32, #tpu.memory_space<hbm>>) target(%arg6 : memref<30x104xi32, #tpu.memory_space<vmem>>) target_semaphore(%arg26 : memref<!tpu.dma_semaphore, #tpu.memory_space<semaphore_mem>>)
    %lt3A = arith.constant 11 : i32
    %lt3A_10 = arith.cmpi slt, %arg1, %lt3A : i32
    %convert_element_type3A = arith.extui %lt3A_10 : i1 to i32
    %cond3A = arith.constant 0 : i32
    %cond3A_11 = arith.cmpi ne, %convert_element_type3A, %cond3A : i32
    scf.if %cond3A_11 {
      %mul3A_306 = arith.constant 8 : i32
      %mul3A_307 = arith.muli %arg1, %mul3A_306 : i32
      %multiple_of3A_308 = tpu.assume_multiple %mul3A_307, 8 : i32
      "tpu.region"() ({
        %run_scoped3A = tpu.sem_alloc : memref<!tpu.dma_semaphore, #tpu.memory_space<semaphore_mem>>
        %dma_start3A_309 = arith.constant 0 : i32
        %dma_start3A_310 = tpu.memref_slice %arg4[%multiple_of3A_308, %dma_start3A_309] : memref<95x128xf32, #tpu.memory_space<hbm>> -> memref<8x128xf32, #tpu.memory_space<hbm>>
        %dma_start3A_311 = arith.constant 0 : i32
        %dma_start3A_312 = tpu.memref_slice %arg4[%multiple_of3A_308, %dma_start3A_311] : memref<95x128xf32, #tpu.memory_space<hbm>> -> memref<8x128xf32, #tpu.memory_space<hbm>>
        tpu.enqueue_dma source(%dma_start3A_312 : memref<8x128xf32, #tpu.memory_space<hbm>>) target(%arg14 : memref<8x128xf32, #tpu.memory_space<vmem>>) target_semaphore(%run_scoped3A : memref<!tpu.dma_semaphore, #tpu.memory_space<semaphore_mem>>)
        %dma_wait3A_313 = arith.constant 0 : i32
        %dma_wait3A_314 = tpu.memref_slice %arg4[%multiple_of3A_308, %dma_wait3A_313] : memref<95x128xf32, #tpu.memory_space<hbm>> -> memref<8x128xf32, #tpu.memory_space<hbm>>
        %dma_wait3A_315 = arith.constant 0 : i32
        %dma_wait3A_316 = tpu.memref_slice %arg4[%multiple_of3A_308, %dma_wait3A_315] : memref<95x128xf32, #tpu.memory_space<hbm>> -> memref<8x128xf32, #tpu.memory_space<hbm>>
        tpu.wait_dma2 semaphore(%run_scoped3A : memref<!tpu.dma_semaphore, #tpu.memory_space<semaphore_mem>>) src(%dma_wait3A_316 : memref<8x128xf32, #tpu.memory_space<hbm>>) dst(%arg14 : memref<8x128xf32, #tpu.memory_space<vmem>>)
        tpu.yield
      }) : () -> ()
      "tpu.region"() ({
        %run_scoped3A = tpu.sem_alloc : memref<!tpu.dma_semaphore, #tpu.memory_space<semaphore_mem>>
        %dma_start3A_309 = arith.constant 0 : i32
        %dma_start3A_310 = tpu.memref_slice %arg15[%multiple_of3A_308, %dma_start3A_309] : memref<95x128xf32, #tpu.memory_space<vmem_shared>> -> memref<8x128xf32, #tpu.memory_space<vmem_shared>>
        %dma_start3A_311 = arith.constant 0 : i32
        %dma_start3A_312 = tpu.memref_slice %arg15[%multiple_of3A_308, %dma_start3A_311] : memref<95x128xf32, #tpu.memory_space<vmem_shared>> -> memref<8x128xf32, #tpu.memory_space<vmem_shared>>
        tpu.enqueue_dma source(%arg14 : memref<8x128xf32, #tpu.memory_space<vmem>>) target(%dma_start3A_312 : memref<8x128xf32, #tpu.memory_space<vmem_shared>>) target_semaphore(%run_scoped3A : memref<!tpu.dma_semaphore, #tpu.memory_space<semaphore_mem>>)
        %dma_wait3A_313 = arith.constant 0 : i32
        %dma_wait3A_314 = tpu.memref_slice %arg15[%multiple_of3A_308, %dma_wait3A_313] : memref<95x128xf32, #tpu.memory_space<vmem_shared>> -> memref<8x128xf32, #tpu.memory_space<vmem_shared>>
        %dma_wait3A_315 = arith.constant 0 : i32
        %dma_wait3A_316 = tpu.memref_slice %arg15[%multiple_of3A_308, %dma_wait3A_315] : memref<95x128xf32, #tpu.memory_space<vmem_shared>> -> memref<8x128xf32, #tpu.memory_space<vmem_shared>>
        tpu.wait_dma2 semaphore(%run_scoped3A : memref<!tpu.dma_semaphore, #tpu.memory_space<semaphore_mem>>) src(%arg14 : memref<8x128xf32, #tpu.memory_space<vmem>>) dst(%dma_wait3A_316 : memref<8x128xf32, #tpu.memory_space<vmem_shared>>)
        tpu.yield
      }) : () -> ()
    } else {
    }
    %eq3A = arith.constant 11 : i32
    %eq3A_12 = arith.cmpi eq, %arg1, %eq3A : i32
    %convert_element_type3A_13 = arith.extui %eq3A_12 : i1 to i32
    %cond3A_14 = arith.constant 0 : i32
    %cond3A_15 = arith.cmpi ne, %convert_element_type3A_13, %cond3A_14 : i32
    scf.if %cond3A_15 {
      "tpu.region"() ({
        %run_scoped3A = tpu.sem_alloc : memref<!tpu.dma_semaphore, #tpu.memory_space<semaphore_mem>>
        %dma_start3A_306 = arith.constant 0 : i32
        %dma_start3A_307 = arith.constant 0 : i32
        %dma_start3A_308 = tpu.memref_slice %arg14[%dma_start3A_306, %dma_start3A_307] : memref<8x128xf32, #tpu.memory_space<vmem>> -> memref<7x128xf32, #tpu.memory_space<vmem>>
        %dma_start3A_309 = arith.constant 88 : i32
        %dma_start3A_310 = arith.constant 0 : i32
        %dma_start3A_311 = tpu.memref_slice %arg4[%dma_start3A_309, %dma_start3A_310] : memref<95x128xf32, #tpu.memory_space<hbm>> -> memref<7x128xf32, #tpu.memory_space<hbm>>
        %dma_start3A_312 = arith.constant 0 : i32
        %dma_start3A_313 = arith.constant 0 : i32
        %dma_start3A_314 = tpu.memref_slice %arg14[%dma_start3A_312, %dma_start3A_313] : memref<8x128xf32, #tpu.memory_space<vmem>> -> memref<7x128xf32, #tpu.memory_space<vmem>>
        %dma_start3A_315 = arith.constant 88 : i32
        %dma_start3A_316 = arith.constant 0 : i32
        %dma_start3A_317 = tpu.memref_slice %arg4[%dma_start3A_315, %dma_start3A_316] : memref<95x128xf32, #tpu.memory_space<hbm>> -> memref<7x128xf32, #tpu.memory_space<hbm>>
        tpu.enqueue_dma source(%dma_start3A_317 : memref<7x128xf32, #tpu.memory_space<hbm>>) target(%dma_start3A_314 : memref<7x128xf32, #tpu.memory_space<vmem>>) target_semaphore(%run_scoped3A : memref<!tpu.dma_semaphore, #tpu.memory_space<semaphore_mem>>)
        %dma_wait3A_318 = arith.constant 0 : i32
        %dma_wait3A_319 = arith.constant 0 : i32
        %dma_wait3A_320 = tpu.memref_slice %arg14[%dma_wait3A_318, %dma_wait3A_319] : memref<8x128xf32, #tpu.memory_space<vmem>> -> memref<7x128xf32, #tpu.memory_space<vmem>>
        %dma_wait3A_321 = arith.constant 88 : i32
        %dma_wait3A_322 = arith.constant 0 : i32
        %dma_wait3A_323 = tpu.memref_slice %arg4[%dma_wait3A_321, %dma_wait3A_322] : memref<95x128xf32, #tpu.memory_space<hbm>> -> memref<7x128xf32, #tpu.memory_space<hbm>>
        %dma_wait3A_324 = arith.constant 0 : i32
        %dma_wait3A_325 = arith.constant 0 : i32
        %dma_wait3A_326 = tpu.memref_slice %arg14[%dma_wait3A_324, %dma_wait3A_325] : memref<8x128xf32, #tpu.memory_space<vmem>> -> memref<7x128xf32, #tpu.memory_space<vmem>>
        %dma_wait3A_327 = arith.constant 88 : i32
        %dma_wait3A_328 = arith.constant 0 : i32
        %dma_wait3A_329 = tpu.memref_slice %arg4[%dma_wait3A_327, %dma_wait3A_328] : memref<95x128xf32, #tpu.memory_space<hbm>> -> memref<7x128xf32, #tpu.memory_space<hbm>>
        tpu.wait_dma2 semaphore(%run_scoped3A : memref<!tpu.dma_semaphore, #tpu.memory_space<semaphore_mem>>) src(%dma_wait3A_329 : memref<7x128xf32, #tpu.memory_space<hbm>>) dst(%dma_wait3A_326 : memref<7x128xf32, #tpu.memory_space<vmem>>)
        tpu.yield
      }) : () -> ()
      "tpu.region"() ({
        %run_scoped3A = tpu.sem_alloc : memref<!tpu.dma_semaphore, #tpu.memory_space<semaphore_mem>>
        %dma_start3A_306 = arith.constant 0 : i32
        %dma_start3A_307 = arith.constant 0 : i32
        %dma_start3A_308 = tpu.memref_slice %arg14[%dma_start3A_306, %dma_start3A_307] : memref<8x128xf32, #tpu.memory_space<vmem>> -> memref<7x128xf32, #tpu.memory_space<vmem>>
        %dma_start3A_309 = arith.constant 88 : i32
        %dma_start3A_310 = arith.constant 0 : i32
        %dma_start3A_311 = tpu.memref_slice %arg15[%dma_start3A_309, %dma_start3A_310] : memref<95x128xf32, #tpu.memory_space<vmem_shared>> -> memref<7x128xf32, #tpu.memory_space<vmem_shared>>
        %dma_start3A_312 = arith.constant 88 : i32
        %dma_start3A_313 = arith.constant 0 : i32
        %dma_start3A_314 = tpu.memref_slice %arg15[%dma_start3A_312, %dma_start3A_313] : memref<95x128xf32, #tpu.memory_space<vmem_shared>> -> memref<7x128xf32, #tpu.memory_space<vmem_shared>>
        %dma_start3A_315 = arith.constant 0 : i32
        %dma_start3A_316 = arith.constant 0 : i32
        %dma_start3A_317 = tpu.memref_slice %arg14[%dma_start3A_315, %dma_start3A_316] : memref<8x128xf32, #tpu.memory_space<vmem>> -> memref<7x128xf32, #tpu.memory_space<vmem>>
        tpu.enqueue_dma source(%dma_start3A_317 : memref<7x128xf32, #tpu.memory_space<vmem>>) target(%dma_start3A_314 : memref<7x128xf32, #tpu.memory_space<vmem_shared>>) target_semaphore(%run_scoped3A : memref<!tpu.dma_semaphore, #tpu.memory_space<semaphore_mem>>)
        %dma_wait3A_318 = arith.constant 0 : i32
        %dma_wait3A_319 = arith.constant 0 : i32
        %dma_wait3A_320 = tpu.memref_slice %arg14[%dma_wait3A_318, %dma_wait3A_319] : memref<8x128xf32, #tpu.memory_space<vmem>> -> memref<7x128xf32, #tpu.memory_space<vmem>>
        %dma_wait3A_321 = arith.constant 88 : i32
        %dma_wait3A_322 = arith.constant 0 : i32
        %dma_wait3A_323 = tpu.memref_slice %arg15[%dma_wait3A_321, %dma_wait3A_322] : memref<95x128xf32, #tpu.memory_space<vmem_shared>> -> memref<7x128xf32, #tpu.memory_space<vmem_shared>>
        %dma_wait3A_324 = arith.constant 88 : i32
        %dma_wait3A_325 = arith.constant 0 : i32
        %dma_wait3A_326 = tpu.memref_slice %arg15[%dma_wait3A_324, %dma_wait3A_325] : memref<95x128xf32, #tpu.memory_space<vmem_shared>> -> memref<7x128xf32, #tpu.memory_space<vmem_shared>>
        %dma_wait3A_327 = arith.constant 0 : i32
        %dma_wait3A_328 = arith.constant 0 : i32
        %dma_wait3A_329 = tpu.memref_slice %arg14[%dma_wait3A_327, %dma_wait3A_328] : memref<8x128xf32, #tpu.memory_space<vmem>> -> memref<7x128xf32, #tpu.memory_space<vmem>>
        tpu.wait_dma2 semaphore(%run_scoped3A : memref<!tpu.dma_semaphore, #tpu.memory_space<semaphore_mem>>) src(%dma_wait3A_329 : memref<7x128xf32, #tpu.memory_space<vmem>>) dst(%dma_wait3A_326 : memref<7x128xf32, #tpu.memory_space<vmem_shared>>)
        tpu.yield
      }) : () -> ()
    } else {
    }
    %barrier3A = arith.constant 0 : index
    tpu.barrier barrier_id(%barrier3A)
    %dma_wait3A = arith.constant 0 : i32
    %dma_wait3A_16 = arith.constant 0 : i32
    %dma_wait3A_17 = tpu.memref_slice %arg2[%add3A, %dma_wait3A, %dma_wait3A_16] : memref<32x30x104xi32, #tpu.memory_space<hbm>> -> memref<1x30x104xi32, #tpu.memory_space<hbm>>
    %dma_wait3A_18 = tpu.memref_squeeze %dma_wait3A_17 : memref<1x30x104xi32, #tpu.memory_space<hbm>> -> memref<30x104xi32, #tpu.memory_space<hbm>>
    %dma_wait3A_19 = arith.constant 0 : i32
    %dma_wait3A_20 = arith.constant 0 : i32
    %dma_wait3A_21 = tpu.memref_slice %arg2[%add3A, %dma_wait3A_19, %dma_wait3A_20] : memref<32x30x104xi32, #tpu.memory_space<hbm>> -> memref<1x30x104xi32, #tpu.memory_space<hbm>>
    %dma_wait3A_22 = tpu.memref_squeeze %dma_wait3A_21 : memref<1x30x104xi32, #tpu.memory_space<hbm>> -> memref<30x104xi32, #tpu.memory_space<hbm>>
    tpu.wait_dma2 semaphore(%arg26 : memref<!tpu.dma_semaphore, #tpu.memory_space<semaphore_mem>>) src(%dma_wait3A_22 : memref<30x104xi32, #tpu.memory_space<hbm>>) dst(%arg6 : memref<30x104xi32, #tpu.memory_space<vmem>>)
    %lt3A_23 = arith.constant 20 : i32
    %lt3A_24 = arith.cmpi slt, %add3A, %lt3A_23 : i32
    %convert_element_type3A_25 = arith.extui %lt3A_24 : i1 to i32
    %cond3A_26 = arith.constant 0 : i32
    %cond3A_27 = arith.cmpi ne, %convert_element_type3A_25, %cond3A_26 : i32
    scf.if %cond3A_27 {
      %mul3A_306 = arith.constant 8 : i32
      %mul3A_307 = arith.muli %add3A, %mul3A_306 : i32
      "tpu.region"() ({
        %run_scoped3A = tpu.sem_alloc : memref<!tpu.dma_semaphore, #tpu.memory_space<semaphore_mem>>
        %dma_start3A_311 = tpu.memref_slice %arg3[%mul3A_307] : memref<160xi32, #tpu.memory_space<hbm>> -> memref<8xi32, #tpu.memory_space<hbm>>
        %dma_start3A_312 = tpu.memref_slice %arg3[%mul3A_307] : memref<160xi32, #tpu.memory_space<hbm>> -> memref<8xi32, #tpu.memory_space<hbm>>
        tpu.enqueue_dma source(%dma_start3A_312 : memref<8xi32, #tpu.memory_space<hbm>>) target(%arg12 : memref<8xi32, #tpu.memory_space<vmem>>) target_semaphore(%run_scoped3A : memref<!tpu.dma_semaphore, #tpu.memory_space<semaphore_mem>>)
        %dma_wait3A_313 = tpu.memref_slice %arg3[%mul3A_307] : memref<160xi32, #tpu.memory_space<hbm>> -> memref<8xi32, #tpu.memory_space<hbm>>
        %dma_wait3A_314 = tpu.memref_slice %arg3[%mul3A_307] : memref<160xi32, #tpu.memory_space<hbm>> -> memref<8xi32, #tpu.memory_space<hbm>>
        tpu.wait_dma2 semaphore(%run_scoped3A : memref<!tpu.dma_semaphore, #tpu.memory_space<semaphore_mem>>) src(%dma_wait3A_314 : memref<8xi32, #tpu.memory_space<hbm>>) dst(%arg12 : memref<8xi32, #tpu.memory_space<vmem>>)
        tpu.yield
      }) : () -> ()
      %dma_start3A_308 = arith.constant 0 : i32
      %dma_start3A_309 = arith.constant 0 : i32
      %dma_start3A_310 = tpu.memref_slice %arg15[%dma_start3A_308, %dma_start3A_309] : memref<95x128xf32, #tpu.memory_space<vmem_shared>> -> memref<95x128xf32, #tpu.memory_space<vmem_shared>>
      tpu.enqueue_indirect_dma source(%dma_start3A_310 : memref<95x128xf32, #tpu.memory_space<vmem_shared>>) target(%arg13 : memref<8x128xf32, #tpu.memory_space<vmem>>) offsets(%arg12 : memref<8xi32, #tpu.memory_space<vmem>>) semaphore(%arg26 : memref<!tpu.dma_semaphore, #tpu.memory_space<semaphore_mem>>)
    } else {
    }
    %dma_start3A_28 = arith.constant 0 : i32
    %dma_start3A_29 = arith.constant 0 : i32
    %dma_start3A_30 = tpu.memref_slice %arg6[%dma_start3A_28, %dma_start3A_29] : memref<30x104xi32, #tpu.memory_space<vmem>> -> memref<1x104xi32, #tpu.memory_space<vmem>>
    %dma_start3A_31 = tpu.memref_squeeze %dma_start3A_30 : memref<1x104xi32, #tpu.memory_space<vmem>> -> memref<104xi32, #tpu.memory_space<vmem>>
    %dma_start3A_32 = arith.constant 0 : i32
    %dma_start3A_33 = arith.constant 0 : i32
    %dma_start3A_34 = tpu.memref_slice %arg15[%dma_start3A_32, %dma_start3A_33] : memref<95x128xf32, #tpu.memory_space<vmem_shared>> -> memref<95x128xf32, #tpu.memory_space<vmem_shared>>
    tpu.enqueue_indirect_dma source(%dma_start3A_34 : memref<95x128xf32, #tpu.memory_space<vmem_shared>>) target(%arg7 : memref<104x128xf32, #tpu.memory_space<vmem>>) offsets(%dma_start3A_31 : memref<104xi32, #tpu.memory_space<vmem>>) semaphore(%arg16 : memref<!tpu.dma_semaphore, #tpu.memory_space<semaphore_mem>>)
    %dma_start3A_35 = arith.constant 1 : i32
    %dma_start3A_36 = arith.constant 0 : i32
    %dma_start3A_37 = tpu.memref_slice %arg6[%dma_start3A_35, %dma_start3A_36] : memref<30x104xi32, #tpu.memory_space<vmem>> -> memref<1x104xi32, #tpu.memory_space<vmem>>
    %dma_start3A_38 = tpu.memref_squeeze %dma_start3A_37 : memref<1x104xi32, #tpu.memory_space<vmem>> -> memref<104xi32, #tpu.memory_space<vmem>>
    %dma_start3A_39 = arith.constant 0 : i32
    %dma_start3A_40 = arith.constant 0 : i32
    %dma_start3A_41 = tpu.memref_slice %arg15[%dma_start3A_39, %dma_start3A_40] : memref<95x128xf32, #tpu.memory_space<vmem_shared>> -> memref<95x128xf32, #tpu.memory_space<vmem_shared>>
    tpu.enqueue_indirect_dma source(%dma_start3A_41 : memref<95x128xf32, #tpu.memory_space<vmem_shared>>) target(%arg8 : memref<104x128xf32, #tpu.memory_space<vmem>>) offsets(%dma_start3A_38 : memref<104xi32, #tpu.memory_space<vmem>>) semaphore(%arg17 : memref<!tpu.dma_semaphore, #tpu.memory_space<semaphore_mem>>)
    %dma_start3A_42 = arith.constant 2 : i32
    %dma_start3A_43 = arith.constant 0 : i32
    %dma_start3A_44 = tpu.memref_slice %arg6[%dma_start3A_42, %dma_start3A_43] : memref<30x104xi32, #tpu.memory_space<vmem>> -> memref<1x104xi32, #tpu.memory_space<vmem>>
    %dma_start3A_45 = tpu.memref_squeeze %dma_start3A_44 : memref<1x104xi32, #tpu.memory_space<vmem>> -> memref<104xi32, #tpu.memory_space<vmem>>
    %dma_start3A_46 = arith.constant 0 : i32
    %dma_start3A_47 = arith.constant 0 : i32
    %dma_start3A_48 = tpu.memref_slice %arg15[%dma_start3A_46, %dma_start3A_47] : memref<95x128xf32, #tpu.memory_space<vmem_shared>> -> memref<95x128xf32, #tpu.memory_space<vmem_shared>>
    tpu.enqueue_indirect_dma source(%dma_start3A_48 : memref<95x128xf32, #tpu.memory_space<vmem_shared>>) target(%arg9 : memref<104x128xf32, #tpu.memory_space<vmem>>) offsets(%dma_start3A_45 : memref<104xi32, #tpu.memory_space<vmem>>) semaphore(%arg18 : memref<!tpu.dma_semaphore, #tpu.memory_space<semaphore_mem>>)
    %dma_wait3A_49 = arith.constant 0 : i32
    %dma_wait3A_50 = arith.constant 0 : i32
    %dma_wait3A_51 = tpu.memref_slice %arg6[%dma_wait3A_49, %dma_wait3A_50] : memref<30x104xi32, #tpu.memory_space<vmem>> -> memref<1x104xi32, #tpu.memory_space<vmem>>
    %dma_wait3A_52 = tpu.memref_squeeze %dma_wait3A_51 : memref<1x104xi32, #tpu.memory_space<vmem>> -> memref<104xi32, #tpu.memory_space<vmem>>
    %dma_wait3A_53 = arith.constant 0 : i32
    %dma_wait3A_54 = arith.constant 0 : i32
    %dma_wait3A_55 = tpu.memref_slice %arg15[%dma_wait3A_53, %dma_wait3A_54] : memref<95x128xf32, #tpu.memory_space<vmem_shared>> -> memref<95x128xf32, #tpu.memory_space<vmem_shared>>
    tpu.wait_indirect_dma semaphore(%arg16 : memref<!tpu.dma_semaphore, #tpu.memory_space<semaphore_mem>>) src(%dma_wait3A_55 : memref<95x128xf32, #tpu.memory_space<vmem_shared>>) dst(%arg7 : memref<104x128xf32, #tpu.memory_space<vmem>>)
    %add3A_56 = arith.constant 0 : i32
    %add3A_57 = arith.addi %multiple_of3A, %add3A_56 : i32
    %multiple_of3A_58 = tpu.assume_multiple %add3A_57, 8 : i32
    %dma_start3A_59 = arith.constant 0 : i32
    %dma_start3A_60 = tpu.memref_slice %arg5[%multiple_of3A_58, %dma_start3A_59] : memref<100000x128xf32, #tpu.memory_space<hbm>> -> memref<104x128xf32, #tpu.memory_space<hbm>>
    %dma_start3A_61 = arith.constant 0 : i32
    %dma_start3A_62 = tpu.memref_slice %arg5[%multiple_of3A_58, %dma_start3A_61] : memref<100000x128xf32, #tpu.memory_space<hbm>> -> memref<104x128xf32, #tpu.memory_space<hbm>>
    tpu.enqueue_dma source(%arg7 : memref<104x128xf32, #tpu.memory_space<vmem>>) target(%dma_start3A_62 : memref<104x128xf32, #tpu.memory_space<hbm>>) target_semaphore(%arg21 : memref<!tpu.dma_semaphore, #tpu.memory_space<semaphore_mem>>)
    %dma_start3A_63 = arith.constant 3 : i32
    %dma_start3A_64 = arith.constant 0 : i32
    %dma_start3A_65 = tpu.memref_slice %arg6[%dma_start3A_63, %dma_start3A_64] : memref<30x104xi32, #tpu.memory_space<vmem>> -> memref<1x104xi32, #tpu.memory_space<vmem>>
    %dma_start3A_66 = tpu.memref_squeeze %dma_start3A_65 : memref<1x104xi32, #tpu.memory_space<vmem>> -> memref<104xi32, #tpu.memory_space<vmem>>
    %dma_start3A_67 = arith.constant 0 : i32
    %dma_start3A_68 = arith.constant 0 : i32
    %dma_start3A_69 = tpu.memref_slice %arg15[%dma_start3A_67, %dma_start3A_68] : memref<95x128xf32, #tpu.memory_space<vmem_shared>> -> memref<95x128xf32, #tpu.memory_space<vmem_shared>>
    tpu.enqueue_indirect_dma source(%dma_start3A_69 : memref<95x128xf32, #tpu.memory_space<vmem_shared>>) target(%arg10 : memref<104x128xf32, #tpu.memory_space<vmem>>) offsets(%dma_start3A_66 : memref<104xi32, #tpu.memory_space<vmem>>) semaphore(%arg19 : memref<!tpu.dma_semaphore, #tpu.memory_space<semaphore_mem>>)
    %dma_wait3A_70 = arith.constant 0 : i32
    %dma_wait3A_71 = arith.constant 0 : i32
    %dma_wait3A_72 = tpu.memref_slice %arg6[%dma_wait3A_70, %dma_wait3A_71] : memref<30x104xi32, #tpu.memory_space<vmem>> -> memref<1x104xi32, #tpu.memory_space<vmem>>
    %dma_wait3A_73 = tpu.memref_squeeze %dma_wait3A_72 : memref<1x104xi32, #tpu.memory_space<vmem>> -> memref<104xi32, #tpu.memory_space<vmem>>
    %dma_wait3A_74 = arith.constant 0 : i32
    %dma_wait3A_75 = arith.constant 0 : i32
    %dma_wait3A_76 = tpu.memref_slice %arg15[%dma_wait3A_74, %dma_wait3A_75] : memref<95x128xf32, #tpu.memory_space<vmem_shared>> -> memref<95x128xf32, #tpu.memory_space<vmem_shared>>
    tpu.wait_indirect_dma semaphore(%arg17 : memref<!tpu.dma_semaphore, #tpu.memory_space<semaphore_mem>>) src(%dma_wait3A_76 : memref<95x128xf32, #tpu.memory_space<vmem_shared>>) dst(%arg8 : memref<104x128xf32, #tpu.memory_space<vmem>>)
    %add3A_77 = arith.constant 104 : i32
    %add3A_78 = arith.addi %multiple_of3A, %add3A_77 : i32
    %multiple_of3A_79 = tpu.assume_multiple %add3A_78, 8 : i32
    %dma_start3A_80 = arith.constant 0 : i32
    %dma_start3A_81 = tpu.memref_slice %arg5[%multiple_of3A_79, %dma_start3A_80] : memref<100000x128xf32, #tpu.memory_space<hbm>> -> memref<104x128xf32, #tpu.memory_space<hbm>>
    %dma_start3A_82 = arith.constant 0 : i32
    %dma_start3A_83 = tpu.memref_slice %arg5[%multiple_of3A_79, %dma_start3A_82] : memref<100000x128xf32, #tpu.memory_space<hbm>> -> memref<104x128xf32, #tpu.memory_space<hbm>>
    tpu.enqueue_dma source(%arg8 : memref<104x128xf32, #tpu.memory_space<vmem>>) target(%dma_start3A_83 : memref<104x128xf32, #tpu.memory_space<hbm>>) target_semaphore(%arg22 : memref<!tpu.dma_semaphore, #tpu.memory_space<semaphore_mem>>)
    %dma_start3A_84 = arith.constant 4 : i32
    %dma_start3A_85 = arith.constant 0 : i32
    %dma_start3A_86 = tpu.memref_slice %arg6[%dma_start3A_84, %dma_start3A_85] : memref<30x104xi32, #tpu.memory_space<vmem>> -> memref<1x104xi32, #tpu.memory_space<vmem>>
    %dma_start3A_87 = tpu.memref_squeeze %dma_start3A_86 : memref<1x104xi32, #tpu.memory_space<vmem>> -> memref<104xi32, #tpu.memory_space<vmem>>
    %dma_start3A_88 = arith.constant 0 : i32
    %dma_start3A_89 = arith.constant 0 : i32
    %dma_start3A_90 = tpu.memref_slice %arg15[%dma_start3A_88, %dma_start3A_89] : memref<95x128xf32, #tpu.memory_space<vmem_shared>> -> memref<95x128xf32, #tpu.memory_space<vmem_shared>>
    tpu.enqueue_indirect_dma source(%dma_start3A_90 : memref<95x128xf32, #tpu.memory_space<vmem_shared>>) target(%arg11 : memref<104x128xf32, #tpu.memory_space<vmem>>) offsets(%dma_start3A_87 : memref<104xi32, #tpu.memory_space<vmem>>) semaphore(%arg20 : memref<!tpu.dma_semaphore, #tpu.memory_space<semaphore_mem>>)
    %dma_wait3A_91 = arith.constant 0 : i32
    %dma_wait3A_92 = arith.constant 0 : i32
    %dma_wait3A_93 = tpu.memref_slice %arg6[%dma_wait3A_91, %dma_wait3A_92] : memref<30x104xi32, #tpu.memory_space<vmem>> -> memref<1x104xi32, #tpu.memory_space<vmem>>
    %dma_wait3A_94 = tpu.memref_squeeze %dma_wait3A_93 : memref<1x104xi32, #tpu.memory_space<vmem>> -> memref<104xi32, #tpu.memory_space<vmem>>
    %dma_wait3A_95 = arith.constant 0 : i32
    %dma_wait3A_96 = arith.constant 0 : i32
    %dma_wait3A_97 = tpu.memref_slice %arg15[%dma_wait3A_95, %dma_wait3A_96] : memref<95x128xf32, #tpu.memory_space<vmem_shared>> -> memref<95x128xf32, #tpu.memory_space<vmem_shared>>
    tpu.wait_indirect_dma semaphore(%arg18 : memref<!tpu.dma_semaphore, #tpu.memory_space<semaphore_mem>>) src(%dma_wait3A_97 : memref<95x128xf32, #tpu.memory_space<vmem_shared>>) dst(%arg9 : memref<104x128xf32, #tpu.memory_space<vmem>>)
    %add3A_98 = arith.constant 208 : i32
    %add3A_99 = arith.addi %multiple_of3A, %add3A_98 : i32
    %multiple_of3A_100 = tpu.assume_multiple %add3A_99, 8 : i32
    %dma_start3A_101 = arith.constant 0 : i32
    %dma_start3A_102 = tpu.memref_slice %arg5[%multiple_of3A_100, %dma_start3A_101] : memref<100000x128xf32, #tpu.memory_space<hbm>> -> memref<104x128xf32, #tpu.memory_space<hbm>>
    %dma_start3A_103 = arith.constant 0 : i32
    %dma_start3A_104 = tpu.memref_slice %arg5[%multiple_of3A_100, %dma_start3A_103] : memref<100000x128xf32, #tpu.memory_space<hbm>> -> memref<104x128xf32, #tpu.memory_space<hbm>>
    tpu.enqueue_dma source(%arg9 : memref<104x128xf32, #tpu.memory_space<vmem>>) target(%dma_start3A_104 : memref<104x128xf32, #tpu.memory_space<hbm>>) target_semaphore(%arg23 : memref<!tpu.dma_semaphore, #tpu.memory_space<semaphore_mem>>)
    %dma_wait3A_105 = arith.constant 0 : i32
    %dma_wait3A_106 = arith.constant 0 : i32
    %dma_wait3A_107 = tpu.memref_slice %arg5[%dma_wait3A_105, %dma_wait3A_106] : memref<100000x128xf32, #tpu.memory_space<hbm>> -> memref<104x128xf32, #tpu.memory_space<hbm>>
    %dma_wait3A_108 = arith.constant 0 : i32
    %dma_wait3A_109 = arith.constant 0 : i32
    %dma_wait3A_110 = tpu.memref_slice %arg5[%dma_wait3A_108, %dma_wait3A_109] : memref<100000x128xf32, #tpu.memory_space<hbm>> -> memref<104x128xf32, #tpu.memory_space<hbm>>
    tpu.wait_dma2 semaphore(%arg21 : memref<!tpu.dma_semaphore, #tpu.memory_space<semaphore_mem>>) src(%arg7 : memref<104x128xf32, #tpu.memory_space<vmem>>) dst(%dma_wait3A_110 : memref<104x128xf32, #tpu.memory_space<hbm>>)
    %dma_start3A_111 = arith.constant 5 : i32
    %dma_start3A_112 = arith.constant 0 : i32
    %dma_start3A_113 = tpu.memref_slice %arg6[%dma_start3A_111, %dma_start3A_112] : memref<30x104xi32, #tpu.memory_space<vmem>> -> memref<1x104xi32, #tpu.memory_space<vmem>>
    %dma_start3A_114 = tpu.memref_squeeze %dma_start3A_113 : memref<1x104xi32, #tpu.memory_space<vmem>> -> memref<104xi32, #tpu.memory_space<vmem>>
    %dma_start3A_115 = arith.constant 0 : i32
    %dma_start3A_116 = arith.constant 0 : i32
    %dma_start3A_117 = tpu.memref_slice %arg15[%dma_start3A_115, %dma_start3A_116] : memref<95x128xf32, #tpu.memory_space<vmem_shared>> -> memref<95x128xf32, #tpu.memory_space<vmem_shared>>
    tpu.enqueue_indirect_dma source(%dma_start3A_117 : memref<95x128xf32, #tpu.memory_space<vmem_shared>>) target(%arg7 : memref<104x128xf32, #tpu.memory_space<vmem>>) offsets(%dma_start3A_114 : memref<104xi32, #tpu.memory_space<vmem>>) semaphore(%arg16 : memref<!tpu.dma_semaphore, #tpu.memory_space<semaphore_mem>>)
    %dma_wait3A_118 = arith.constant 0 : i32
    %dma_wait3A_119 = arith.constant 0 : i32
    %dma_wait3A_120 = tpu.memref_slice %arg6[%dma_wait3A_118, %dma_wait3A_119] : memref<30x104xi32, #tpu.memory_space<vmem>> -> memref<1x104xi32, #tpu.memory_space<vmem>>
    %dma_wait3A_121 = tpu.memref_squeeze %dma_wait3A_120 : memref<1x104xi32, #tpu.memory_space<vmem>> -> memref<104xi32, #tpu.memory_space<vmem>>
    %dma_wait3A_122 = arith.constant 0 : i32
    %dma_wait3A_123 = arith.constant 0 : i32
    %dma_wait3A_124 = tpu.memref_slice %arg15[%dma_wait3A_122, %dma_wait3A_123] : memref<95x128xf32, #tpu.memory_space<vmem_shared>> -> memref<95x128xf32, #tpu.memory_space<vmem_shared>>
    tpu.wait_indirect_dma semaphore(%arg19 : memref<!tpu.dma_semaphore, #tpu.memory_space<semaphore_mem>>) src(%dma_wait3A_124 : memref<95x128xf32, #tpu.memory_space<vmem_shared>>) dst(%arg10 : memref<104x128xf32, #tpu.memory_space<vmem>>)
    %add3A_125 = arith.constant 312 : i32
    %add3A_126 = arith.addi %multiple_of3A, %add3A_125 : i32
    %multiple_of3A_127 = tpu.assume_multiple %add3A_126, 8 : i32
    %dma_start3A_128 = arith.constant 0 : i32
    %dma_start3A_129 = tpu.memref_slice %arg5[%multiple_of3A_127, %dma_start3A_128] : memref<100000x128xf32, #tpu.memory_space<hbm>> -> memref<104x128xf32, #tpu.memory_space<hbm>>
    %dma_start3A_130 = arith.constant 0 : i32
    %dma_start3A_131 = tpu.memref_slice %arg5[%multiple_of3A_127, %dma_start3A_130] : memref<100000x128xf32, #tpu.memory_space<hbm>> -> memref<104x128xf32, #tpu.memory_space<hbm>>
    tpu.enqueue_dma source(%arg10 : memref<104x128xf32, #tpu.memory_space<vmem>>) target(%dma_start3A_131 : memref<104x128xf32, #tpu.memory_space<hbm>>) target_semaphore(%arg24 : memref<!tpu.dma_semaphore, #tpu.memory_space<semaphore_mem>>)
    %dma_wait3A_132 = arith.constant 0 : i32
    %dma_wait3A_133 = arith.constant 0 : i32
    %dma_wait3A_134 = tpu.memref_slice %arg5[%dma_wait3A_132, %dma_wait3A_133] : memref<100000x128xf32, #tpu.memory_space<hbm>> -> memref<104x128xf32, #tpu.memory_space<hbm>>
    %dma_wait3A_135 = arith.constant 0 : i32
    %dma_wait3A_136 = arith.constant 0 : i32
    %dma_wait3A_137 = tpu.memref_slice %arg5[%dma_wait3A_135, %dma_wait3A_136] : memref<100000x128xf32, #tpu.memory_space<hbm>> -> memref<104x128xf32, #tpu.memory_space<hbm>>
    tpu.wait_dma2 semaphore(%arg22 : memref<!tpu.dma_semaphore, #tpu.memory_space<semaphore_mem>>) src(%arg8 : memref<104x128xf32, #tpu.memory_space<vmem>>) dst(%dma_wait3A_137 : memref<104x128xf32, #tpu.memory_space<hbm>>)
    %dma_start3A_138 = arith.constant 6 : i32
    %dma_start3A_139 = arith.constant 0 : i32
    %dma_start3A_140 = tpu.memref_slice %arg6[%dma_start3A_138, %dma_start3A_139] : memref<30x104xi32, #tpu.memory_space<vmem>> -> memref<1x104xi32, #tpu.memory_space<vmem>>
    %dma_start3A_141 = tpu.memref_squeeze %dma_start3A_140 : memref<1x104xi32, #tpu.memory_space<vmem>> -> memref<104xi32, #tpu.memory_space<vmem>>
    %dma_start3A_142 = arith.constant 0 : i32
    %dma_start3A_143 = arith.constant 0 : i32
    %dma_start3A_144 = tpu.memref_slice %arg15[%dma_start3A_142, %dma_start3A_143] : memref<95x128xf32, #tpu.memory_space<vmem_shared>> -> memref<95x128xf32, #tpu.memory_space<vmem_shared>>
    tpu.enqueue_indirect_dma source(%dma_start3A_144 : memref<95x128xf32, #tpu.memory_space<vmem_shared>>) target(%arg8 : memref<104x128xf32, #tpu.memory_space<vmem>>) offsets(%dma_start3A_141 : memref<104xi32, #tpu.memory_space<vmem>>) semaphore(%arg17 : memref<!tpu.dma_semaphore, #tpu.memory_space<semaphore_mem>>)
    %dma_wait3A_145 = arith.constant 0 : i32
    %dma_wait3A_146 = arith.constant 0 : i32
    %dma_wait3A_147 = tpu.memref_slice %arg6[%dma_wait3A_145, %dma_wait3A_146] : memref<30x104xi32, #tpu.memory_space<vmem>> -> memref<1x104xi32, #tpu.memory_space<vmem>>
    %dma_wait3A_148 = tpu.memref_squeeze %dma_wait3A_147 : memref<1x104xi32, #tpu.memory_space<vmem>> -> memref<104xi32, #tpu.memory_space<vmem>>
    %dma_wait3A_149 = arith.constant 0 : i32
    %dma_wait3A_150 = arith.constant 0 : i32
    %dma_wait3A_151 = tpu.memref_slice %arg15[%dma_wait3A_149, %dma_wait3A_150] : memref<95x128xf32, #tpu.memory_space<vmem_shared>> -> memref<95x128xf32, #tpu.memory_space<vmem_shared>>
    tpu.wait_indirect_dma semaphore(%arg20 : memref<!tpu.dma_semaphore, #tpu.memory_space<semaphore_mem>>) src(%dma_wait3A_151 : memref<95x128xf32, #tpu.memory_space<vmem_shared>>) dst(%arg11 : memref<104x128xf32, #tpu.memory_space<vmem>>)
    %add3A_152 = arith.constant 416 : i32
    %add3A_153 = arith.addi %multiple_of3A, %add3A_152 : i32
    %multiple_of3A_154 = tpu.assume_multiple %add3A_153, 8 : i32
    %dma_start3A_155 = arith.constant 0 : i32
    %dma_start3A_156 = tpu.memref_slice %arg5[%multiple_of3A_154, %dma_start3A_155] : memref<100000x128xf32, #tpu.memory_space<hbm>> -> memref<104x128xf32, #tpu.memory_space<hbm>>
    %dma_start3A_157 = arith.constant 0 : i32
    %dma_start3A_158 = tpu.memref_slice %arg5[%multiple_of3A_154, %dma_start3A_157] : memref<100000x128xf32, #tpu.memory_space<hbm>> -> memref<104x128xf32, #tpu.memory_space<hbm>>
    tpu.enqueue_dma source(%arg11 : memref<104x128xf32, #tpu.memory_space<vmem>>) target(%dma_start3A_158 : memref<104x128xf32, #tpu.memory_space<hbm>>) target_semaphore(%arg25 : memref<!tpu.dma_semaphore, #tpu.memory_space<semaphore_mem>>)
    %scan3A = arith.constant 0 : i32
    %scan3A_159 = arith.constant 1 : i32
    %scan3A_160 = arith.constant 4 : i32
    %scan3A_161 = arith.addi %scan3A_159, %scan3A_160 : i32
    %scan3A_162 = arith.constant 1 : i32
    scf.for %scan3A_306 = %scan3A_159 to %scan3A_161 step %scan3A_162  : i32 {
      %mul3A_307 = arith.constant 5 : i32
      %mul3A_308 = arith.muli %scan3A_306, %mul3A_307 : i32
      %add3A_309 = arith.constant 0 : i32
      %add3A_310 = arith.addi %mul3A_308, %add3A_309 : i32
      %dma_wait3A_311 = arith.constant 0 : i32
      %dma_wait3A_312 = arith.constant 0 : i32
      %dma_wait3A_313 = tpu.memref_slice %arg5[%dma_wait3A_311, %dma_wait3A_312] : memref<100000x128xf32, #tpu.memory_space<hbm>> -> memref<104x128xf32, #tpu.memory_space<hbm>>
      %dma_wait3A_314 = arith.constant 0 : i32
      %dma_wait3A_315 = arith.constant 0 : i32
      %dma_wait3A_316 = tpu.memref_slice %arg5[%dma_wait3A_314, %dma_wait3A_315] : memref<100000x128xf32, #tpu.memory_space<hbm>> -> memref<104x128xf32, #tpu.memory_space<hbm>>
      tpu.wait_dma2 semaphore(%arg23 : memref<!tpu.dma_semaphore, #tpu.memory_space<semaphore_mem>>) src(%arg9 : memref<104x128xf32, #tpu.memory_space<vmem>>) dst(%dma_wait3A_316 : memref<104x128xf32, #tpu.memory_space<hbm>>)
      %add3A_317 = arith.constant 2 : i32
      %add3A_318 = arith.addi %add3A_310, %add3A_317 : i32
      %dma_start3A_319 = arith.constant 0 : i32
      %dma_start3A_320 = tpu.memref_slice %arg6[%add3A_318, %dma_start3A_319] : memref<30x104xi32, #tpu.memory_space<vmem>> -> memref<1x104xi32, #tpu.memory_space<vmem>>
      %dma_start3A_321 = tpu.memref_squeeze %dma_start3A_320 : memref<1x104xi32, #tpu.memory_space<vmem>> -> memref<104xi32, #tpu.memory_space<vmem>>
      %dma_start3A_322 = arith.constant 0 : i32
      %dma_start3A_323 = arith.constant 0 : i32
      %dma_start3A_324 = tpu.memref_slice %arg15[%dma_start3A_322, %dma_start3A_323] : memref<95x128xf32, #tpu.memory_space<vmem_shared>> -> memref<95x128xf32, #tpu.memory_space<vmem_shared>>
      tpu.enqueue_indirect_dma source(%dma_start3A_324 : memref<95x128xf32, #tpu.memory_space<vmem_shared>>) target(%arg9 : memref<104x128xf32, #tpu.memory_space<vmem>>) offsets(%dma_start3A_321 : memref<104xi32, #tpu.memory_space<vmem>>) semaphore(%arg18 : memref<!tpu.dma_semaphore, #tpu.memory_space<semaphore_mem>>)
      %dma_wait3A_325 = arith.constant 0 : i32
      %dma_wait3A_326 = arith.constant 0 : i32
      %dma_wait3A_327 = tpu.memref_slice %arg6[%dma_wait3A_325, %dma_wait3A_326] : memref<30x104xi32, #tpu.memory_space<vmem>> -> memref<1x104xi32, #tpu.memory_space<vmem>>
      %dma_wait3A_328 = tpu.memref_squeeze %dma_wait3A_327 : memref<1x104xi32, #tpu.memory_space<vmem>> -> memref<104xi32, #tpu.memory_space<vmem>>
      %dma_wait3A_329 = arith.constant 0 : i32
      %dma_wait3A_330 = arith.constant 0 : i32
      %dma_wait3A_331 = tpu.memref_slice %arg15[%dma_wait3A_329, %dma_wait3A_330] : memref<95x128xf32, #tpu.memory_space<vmem_shared>> -> memref<95x128xf32, #tpu.memory_space<vmem_shared>>
      tpu.wait_indirect_dma semaphore(%arg16 : memref<!tpu.dma_semaphore, #tpu.memory_space<semaphore_mem>>) src(%dma_wait3A_331 : memref<95x128xf32, #tpu.memory_space<vmem_shared>>) dst(%arg7 : memref<104x128xf32, #tpu.memory_space<vmem>>)
      %mul3A_332 = arith.constant 104 : i32
      %mul3A_333 = arith.muli %add3A_310, %mul3A_332 : i32
      %add3A_334 = arith.addi %multiple_of3A, %mul3A_333 : i32
      %multiple_of3A_335 = tpu.assume_multiple %add3A_334, 8 : i32
      %dma_start3A_336 = arith.constant 0 : i32
      %dma_start3A_337 = tpu.memref_slice %arg5[%multiple_of3A_335, %dma_start3A_336] : memref<100000x128xf32, #tpu.memory_space<hbm>> -> memref<104x128xf32, #tpu.memory_space<hbm>>
      %dma_start3A_338 = arith.constant 0 : i32
      %dma_start3A_339 = tpu.memref_slice %arg5[%multiple_of3A_335, %dma_start3A_338] : memref<100000x128xf32, #tpu.memory_space<hbm>> -> memref<104x128xf32, #tpu.memory_space<hbm>>
      tpu.enqueue_dma source(%arg7 : memref<104x128xf32, #tpu.memory_space<vmem>>) target(%dma_start3A_339 : memref<104x128xf32, #tpu.memory_space<hbm>>) target_semaphore(%arg21 : memref<!tpu.dma_semaphore, #tpu.memory_space<semaphore_mem>>)
      %mul3A_340 = arith.constant 5 : i32
      %mul3A_341 = arith.muli %scan3A_306, %mul3A_340 : i32
      %add3A_342 = arith.constant 1 : i32
      %add3A_343 = arith.addi %mul3A_341, %add3A_342 : i32
      %dma_wait3A_344 = arith.constant 0 : i32
      %dma_wait3A_345 = arith.constant 0 : i32
      %dma_wait3A_346 = tpu.memref_slice %arg5[%dma_wait3A_344, %dma_wait3A_345] : memref<100000x128xf32, #tpu.memory_space<hbm>> -> memref<104x128xf32, #tpu.memory_space<hbm>>
      %dma_wait3A_347 = arith.constant 0 : i32
      %dma_wait3A_348 = arith.constant 0 : i32
      %dma_wait3A_349 = tpu.memref_slice %arg5[%dma_wait3A_347, %dma_wait3A_348] : memref<100000x128xf32, #tpu.memory_space<hbm>> -> memref<104x128xf32, #tpu.memory_space<hbm>>
      tpu.wait_dma2 semaphore(%arg24 : memref<!tpu.dma_semaphore, #tpu.memory_space<semaphore_mem>>) src(%arg10 : memref<104x128xf32, #tpu.memory_space<vmem>>) dst(%dma_wait3A_349 : memref<104x128xf32, #tpu.memory_space<hbm>>)
      %add3A_350 = arith.constant 2 : i32
      %add3A_351 = arith.addi %add3A_343, %add3A_350 : i32
      %dma_start3A_352 = arith.constant 0 : i32
      %dma_start3A_353 = tpu.memref_slice %arg6[%add3A_351, %dma_start3A_352] : memref<30x104xi32, #tpu.memory_space<vmem>> -> memref<1x104xi32, #tpu.memory_space<vmem>>
      %dma_start3A_354 = tpu.memref_squeeze %dma_start3A_353 : memref<1x104xi32, #tpu.memory_space<vmem>> -> memref<104xi32, #tpu.memory_space<vmem>>
      %dma_start3A_355 = arith.constant 0 : i32
      %dma_start3A_356 = arith.constant 0 : i32
      %dma_start3A_357 = tpu.memref_slice %arg15[%dma_start3A_355, %dma_start3A_356] : memref<95x128xf32, #tpu.memory_space<vmem_shared>> -> memref<95x128xf32, #tpu.memory_space<vmem_shared>>
      tpu.enqueue_indirect_dma source(%dma_start3A_357 : memref<95x128xf32, #tpu.memory_space<vmem_shared>>) target(%arg10 : memref<104x128xf32, #tpu.memory_space<vmem>>) offsets(%dma_start3A_354 : memref<104xi32, #tpu.memory_space<vmem>>) semaphore(%arg19 : memref<!tpu.dma_semaphore, #tpu.memory_space<semaphore_mem>>)
      %dma_wait3A_358 = arith.constant 0 : i32
      %dma_wait3A_359 = arith.constant 0 : i32
      %dma_wait3A_360 = tpu.memref_slice %arg6[%dma_wait3A_358, %dma_wait3A_359] : memref<30x104xi32, #tpu.memory_space<vmem>> -> memref<1x104xi32, #tpu.memory_space<vmem>>
      %dma_wait3A_361 = tpu.memref_squeeze %dma_wait3A_360 : memref<1x104xi32, #tpu.memory_space<vmem>> -> memref<104xi32, #tpu.memory_space<vmem>>
      %dma_wait3A_362 = arith.constant 0 : i32
      %dma_wait3A_363 = arith.constant 0 : i32
      %dma_wait3A_364 = tpu.memref_slice %arg15[%dma_wait3A_362, %dma_wait3A_363] : memref<95x128xf32, #tpu.memory_space<vmem_shared>> -> memref<95x128xf32, #tpu.memory_space<vmem_shared>>
      tpu.wait_indirect_dma semaphore(%arg17 : memref<!tpu.dma_semaphore, #tpu.memory_space<semaphore_mem>>) src(%dma_wait3A_364 : memref<95x128xf32, #tpu.memory_space<vmem_shared>>) dst(%arg8 : memref<104x128xf32, #tpu.memory_space<vmem>>)
      %mul3A_365 = arith.constant 104 : i32
      %mul3A_366 = arith.muli %add3A_343, %mul3A_365 : i32
      %add3A_367 = arith.addi %multiple_of3A, %mul3A_366 : i32
      %multiple_of3A_368 = tpu.assume_multiple %add3A_367, 8 : i32
      %dma_start3A_369 = arith.constant 0 : i32
      %dma_start3A_370 = tpu.memref_slice %arg5[%multiple_of3A_368, %dma_start3A_369] : memref<100000x128xf32, #tpu.memory_space<hbm>> -> memref<104x128xf32, #tpu.memory_space<hbm>>
      %dma_start3A_371 = arith.constant 0 : i32
      %dma_start3A_372 = tpu.memref_slice %arg5[%multiple_of3A_368, %dma_start3A_371] : memref<100000x128xf32, #tpu.memory_space<hbm>> -> memref<104x128xf32, #tpu.memory_space<hbm>>
      tpu.enqueue_dma source(%arg8 : memref<104x128xf32, #tpu.memory_space<vmem>>) target(%dma_start3A_372 : memref<104x128xf32, #tpu.memory_space<hbm>>) target_semaphore(%arg22 : memref<!tpu.dma_semaphore, #tpu.memory_space<semaphore_mem>>)
      %mul3A_373 = arith.constant 5 : i32
      %mul3A_374 = arith.muli %scan3A_306, %mul3A_373 : i32
      %add3A_375 = arith.constant 2 : i32
      %add3A_376 = arith.addi %mul3A_374, %add3A_375 : i32
      %dma_wait3A_377 = arith.constant 0 : i32
      %dma_wait3A_378 = arith.constant 0 : i32
      %dma_wait3A_379 = tpu.memref_slice %arg5[%dma_wait3A_377, %dma_wait3A_378] : memref<100000x128xf32, #tpu.memory_space<hbm>> -> memref<104x128xf32, #tpu.memory_space<hbm>>
      %dma_wait3A_380 = arith.constant 0 : i32
      %dma_wait3A_381 = arith.constant 0 : i32
      %dma_wait3A_382 = tpu.memref_slice %arg5[%dma_wait3A_380, %dma_wait3A_381] : memref<100000x128xf32, #tpu.memory_space<hbm>> -> memref<104x128xf32, #tpu.memory_space<hbm>>
      tpu.wait_dma2 semaphore(%arg25 : memref<!tpu.dma_semaphore, #tpu.memory_space<semaphore_mem>>) src(%arg11 : memref<104x128xf32, #tpu.memory_space<vmem>>) dst(%dma_wait3A_382 : memref<104x128xf32, #tpu.memory_space<hbm>>)
      %add3A_383 = arith.constant 2 : i32
      %add3A_384 = arith.addi %add3A_376, %add3A_383 : i32
      %dma_start3A_385 = arith.constant 0 : i32
      %dma_start3A_386 = tpu.memref_slice %arg6[%add3A_384, %dma_start3A_385] : memref<30x104xi32, #tpu.memory_space<vmem>> -> memref<1x104xi32, #tpu.memory_space<vmem>>
      %dma_start3A_387 = tpu.memref_squeeze %dma_start3A_386 : memref<1x104xi32, #tpu.memory_space<vmem>> -> memref<104xi32, #tpu.memory_space<vmem>>
      %dma_start3A_388 = arith.constant 0 : i32
      %dma_start3A_389 = arith.constant 0 : i32
      %dma_start3A_390 = tpu.memref_slice %arg15[%dma_start3A_388, %dma_start3A_389] : memref<95x128xf32, #tpu.memory_space<vmem_shared>> -> memref<95x128xf32, #tpu.memory_space<vmem_shared>>
      tpu.enqueue_indirect_dma source(%dma_start3A_390 : memref<95x128xf32, #tpu.memory_space<vmem_shared>>) target(%arg11 : memref<104x128xf32, #tpu.memory_space<vmem>>) offsets(%dma_start3A_387 : memref<104xi32, #tpu.memory_space<vmem>>) semaphore(%arg20 : memref<!tpu.dma_semaphore, #tpu.memory_space<semaphore_mem>>)
      %dma_wait3A_391 = arith.constant 0 : i32
      %dma_wait3A_392 = arith.constant 0 : i32
      %dma_wait3A_393 = tpu.memref_slice %arg6[%dma_wait3A_391, %dma_wait3A_392] : memref<30x104xi32, #tpu.memory_space<vmem>> -> memref<1x104xi32, #tpu.memory_space<vmem>>
      %dma_wait3A_394 = tpu.memref_squeeze %dma_wait3A_393 : memref<1x104xi32, #tpu.memory_space<vmem>> -> memref<104xi32, #tpu.memory_space<vmem>>
      %dma_wait3A_395 = arith.constant 0 : i32
      %dma_wait3A_396 = arith.constant 0 : i32
      %dma_wait3A_397 = tpu.memref_slice %arg15[%dma_wait3A_395, %dma_wait3A_396] : memref<95x128xf32, #tpu.memory_space<vmem_shared>> -> memref<95x128xf32, #tpu.memory_space<vmem_shared>>
      tpu.wait_indirect_dma semaphore(%arg18 : memref<!tpu.dma_semaphore, #tpu.memory_space<semaphore_mem>>) src(%dma_wait3A_397 : memref<95x128xf32, #tpu.memory_space<vmem_shared>>) dst(%arg9 : memref<104x128xf32, #tpu.memory_space<vmem>>)
      %mul3A_398 = arith.constant 104 : i32
      %mul3A_399 = arith.muli %add3A_376, %mul3A_398 : i32
      %add3A_400 = arith.addi %multiple_of3A, %mul3A_399 : i32
      %multiple_of3A_401 = tpu.assume_multiple %add3A_400, 8 : i32
      %dma_start3A_402 = arith.constant 0 : i32
      %dma_start3A_403 = tpu.memref_slice %arg5[%multiple_of3A_401, %dma_start3A_402] : memref<100000x128xf32, #tpu.memory_space<hbm>> -> memref<104x128xf32, #tpu.memory_space<hbm>>
      %dma_start3A_404 = arith.constant 0 : i32
      %dma_start3A_405 = tpu.memref_slice %arg5[%multiple_of3A_401, %dma_start3A_404] : memref<100000x128xf32, #tpu.memory_space<hbm>> -> memref<104x128xf32, #tpu.memory_space<hbm>>
      tpu.enqueue_dma source(%arg9 : memref<104x128xf32, #tpu.memory_space<vmem>>) target(%dma_start3A_405 : memref<104x128xf32, #tpu.memory_space<hbm>>) target_semaphore(%arg23 : memref<!tpu.dma_semaphore, #tpu.memory_space<semaphore_mem>>)
      %mul3A_406 = arith.constant 5 : i32
      %mul3A_407 = arith.muli %scan3A_306, %mul3A_406 : i32
      %add3A_408 = arith.constant 3 : i32
      %add3A_409 = arith.addi %mul3A_407, %add3A_408 : i32
      %dma_wait3A_410 = arith.constant 0 : i32
      %dma_wait3A_411 = arith.constant 0 : i32
      %dma_wait3A_412 = tpu.memref_slice %arg5[%dma_wait3A_410, %dma_wait3A_411] : memref<100000x128xf32, #tpu.memory_space<hbm>> -> memref<104x128xf32, #tpu.memory_space<hbm>>
      %dma_wait3A_413 = arith.constant 0 : i32
      %dma_wait3A_414 = arith.constant 0 : i32
      %dma_wait3A_415 = tpu.memref_slice %arg5[%dma_wait3A_413, %dma_wait3A_414] : memref<100000x128xf32, #tpu.memory_space<hbm>> -> memref<104x128xf32, #tpu.memory_space<hbm>>
      tpu.wait_dma2 semaphore(%arg21 : memref<!tpu.dma_semaphore, #tpu.memory_space<semaphore_mem>>) src(%arg7 : memref<104x128xf32, #tpu.memory_space<vmem>>) dst(%dma_wait3A_415 : memref<104x128xf32, #tpu.memory_space<hbm>>)
      %add3A_416 = arith.constant 2 : i32
      %add3A_417 = arith.addi %add3A_409, %add3A_416 : i32
      %dma_start3A_418 = arith.constant 0 : i32
      %dma_start3A_419 = tpu.memref_slice %arg6[%add3A_417, %dma_start3A_418] : memref<30x104xi32, #tpu.memory_space<vmem>> -> memref<1x104xi32, #tpu.memory_space<vmem>>
      %dma_start3A_420 = tpu.memref_squeeze %dma_start3A_419 : memref<1x104xi32, #tpu.memory_space<vmem>> -> memref<104xi32, #tpu.memory_space<vmem>>
      %dma_start3A_421 = arith.constant 0 : i32
      %dma_start3A_422 = arith.constant 0 : i32
      %dma_start3A_423 = tpu.memref_slice %arg15[%dma_start3A_421, %dma_start3A_422] : memref<95x128xf32, #tpu.memory_space<vmem_shared>> -> memref<95x128xf32, #tpu.memory_space<vmem_shared>>
      tpu.enqueue_indirect_dma source(%dma_start3A_423 : memref<95x128xf32, #tpu.memory_space<vmem_shared>>) target(%arg7 : memref<104x128xf32, #tpu.memory_space<vmem>>) offsets(%dma_start3A_420 : memref<104xi32, #tpu.memory_space<vmem>>) semaphore(%arg16 : memref<!tpu.dma_semaphore, #tpu.memory_space<semaphore_mem>>)
      %dma_wait3A_424 = arith.constant 0 : i32
      %dma_wait3A_425 = arith.constant 0 : i32
      %dma_wait3A_426 = tpu.memref_slice %arg6[%dma_wait3A_424, %dma_wait3A_425] : memref<30x104xi32, #tpu.memory_space<vmem>> -> memref<1x104xi32, #tpu.memory_space<vmem>>
      %dma_wait3A_427 = tpu.memref_squeeze %dma_wait3A_426 : memref<1x104xi32, #tpu.memory_space<vmem>> -> memref<104xi32, #tpu.memory_space<vmem>>
      %dma_wait3A_428 = arith.constant 0 : i32
      %dma_wait3A_429 = arith.constant 0 : i32
      %dma_wait3A_430 = tpu.memref_slice %arg15[%dma_wait3A_428, %dma_wait3A_429] : memref<95x128xf32, #tpu.memory_space<vmem_shared>> -> memref<95x128xf32, #tpu.memory_space<vmem_shared>>
      tpu.wait_indirect_dma semaphore(%arg19 : memref<!tpu.dma_semaphore, #tpu.memory_space<semaphore_mem>>) src(%dma_wait3A_430 : memref<95x128xf32, #tpu.memory_space<vmem_shared>>) dst(%arg10 : memref<104x128xf32, #tpu.memory_space<vmem>>)
      %mul3A_431 = arith.constant 104 : i32
      %mul3A_432 = arith.muli %add3A_409, %mul3A_431 : i32
      %add3A_433 = arith.addi %multiple_of3A, %mul3A_432 : i32
      %multiple_of3A_434 = tpu.assume_multiple %add3A_433, 8 : i32
      %dma_start3A_435 = arith.constant 0 : i32
      %dma_start3A_436 = tpu.memref_slice %arg5[%multiple_of3A_434, %dma_start3A_435] : memref<100000x128xf32, #tpu.memory_space<hbm>> -> memref<104x128xf32, #tpu.memory_space<hbm>>
      %dma_start3A_437 = arith.constant 0 : i32
      %dma_start3A_438 = tpu.memref_slice %arg5[%multiple_of3A_434, %dma_start3A_437] : memref<100000x128xf32, #tpu.memory_space<hbm>> -> memref<104x128xf32, #tpu.memory_space<hbm>>
      tpu.enqueue_dma source(%arg10 : memref<104x128xf32, #tpu.memory_space<vmem>>) target(%dma_start3A_438 : memref<104x128xf32, #tpu.memory_space<hbm>>) target_semaphore(%arg24 : memref<!tpu.dma_semaphore, #tpu.memory_space<semaphore_mem>>)
      %mul3A_439 = arith.constant 5 : i32
      %mul3A_440 = arith.muli %scan3A_306, %mul3A_439 : i32
      %add3A_441 = arith.constant 4 : i32
      %add3A_442 = arith.addi %mul3A_440, %add3A_441 : i32
      %dma_wait3A_443 = arith.constant 0 : i32
      %dma_wait3A_444 = arith.constant 0 : i32
      %dma_wait3A_445 = tpu.memref_slice %arg5[%dma_wait3A_443, %dma_wait3A_444] : memref<100000x128xf32, #tpu.memory_space<hbm>> -> memref<104x128xf32, #tpu.memory_space<hbm>>
      %dma_wait3A_446 = arith.constant 0 : i32
      %dma_wait3A_447 = arith.constant 0 : i32
      %dma_wait3A_448 = tpu.memref_slice %arg5[%dma_wait3A_446, %dma_wait3A_447] : memref<100000x128xf32, #tpu.memory_space<hbm>> -> memref<104x128xf32, #tpu.memory_space<hbm>>
      tpu.wait_dma2 semaphore(%arg22 : memref<!tpu.dma_semaphore, #tpu.memory_space<semaphore_mem>>) src(%arg8 : memref<104x128xf32, #tpu.memory_space<vmem>>) dst(%dma_wait3A_448 : memref<104x128xf32, #tpu.memory_space<hbm>>)
      %add3A_449 = arith.constant 2 : i32
      %add3A_450 = arith.addi %add3A_442, %add3A_449 : i32
      %dma_start3A_451 = arith.constant 0 : i32
      %dma_start3A_452 = tpu.memref_slice %arg6[%add3A_450, %dma_start3A_451] : memref<30x104xi32, #tpu.memory_space<vmem>> -> memref<1x104xi32, #tpu.memory_space<vmem>>
      %dma_start3A_453 = tpu.memref_squeeze %dma_start3A_452 : memref<1x104xi32, #tpu.memory_space<vmem>> -> memref<104xi32, #tpu.memory_space<vmem>>
      %dma_start3A_454 = arith.constant 0 : i32
      %dma_start3A_455 = arith.constant 0 : i32
      %dma_start3A_456 = tpu.memref_slice %arg15[%dma_start3A_454, %dma_start3A_455] : memref<95x128xf32, #tpu.memory_space<vmem_shared>> -> memref<95x128xf32, #tpu.memory_space<vmem_shared>>
      tpu.enqueue_indirect_dma source(%dma_start3A_456 : memref<95x128xf32, #tpu.memory_space<vmem_shared>>) target(%arg8 : memref<104x128xf32, #tpu.memory_space<vmem>>) offsets(%dma_start3A_453 : memref<104xi32, #tpu.memory_space<vmem>>) semaphore(%arg17 : memref<!tpu.dma_semaphore, #tpu.memory_space<semaphore_mem>>)
      %dma_wait3A_457 = arith.constant 0 : i32
      %dma_wait3A_458 = arith.constant 0 : i32
      %dma_wait3A_459 = tpu.memref_slice %arg6[%dma_wait3A_457, %dma_wait3A_458] : memref<30x104xi32, #tpu.memory_space<vmem>> -> memref<1x104xi32, #tpu.memory_space<vmem>>
      %dma_wait3A_460 = tpu.memref_squeeze %dma_wait3A_459 : memref<1x104xi32, #tpu.memory_space<vmem>> -> memref<104xi32, #tpu.memory_space<vmem>>
      %dma_wait3A_461 = arith.constant 0 : i32
      %dma_wait3A_462 = arith.constant 0 : i32
      %dma_wait3A_463 = tpu.memref_slice %arg15[%dma_wait3A_461, %dma_wait3A_462] : memref<95x128xf32, #tpu.memory_space<vmem_shared>> -> memref<95x128xf32, #tpu.memory_space<vmem_shared>>
      tpu.wait_indirect_dma semaphore(%arg20 : memref<!tpu.dma_semaphore, #tpu.memory_space<semaphore_mem>>) src(%dma_wait3A_463 : memref<95x128xf32, #tpu.memory_space<vmem_shared>>) dst(%arg11 : memref<104x128xf32, #tpu.memory_space<vmem>>)
      %mul3A_464 = arith.constant 104 : i32
      %mul3A_465 = arith.muli %add3A_442, %mul3A_464 : i32
      %add3A_466 = arith.addi %multiple_of3A, %mul3A_465 : i32
      %multiple_of3A_467 = tpu.assume_multiple %add3A_466, 8 : i32
      %dma_start3A_468 = arith.constant 0 : i32
      %dma_start3A_469 = tpu.memref_slice %arg5[%multiple_of3A_467, %dma_start3A_468] : memref<100000x128xf32, #tpu.memory_space<hbm>> -> memref<104x128xf32, #tpu.memory_space<hbm>>
      %dma_start3A_470 = arith.constant 0 : i32
      %dma_start3A_471 = tpu.memref_slice %arg5[%multiple_of3A_467, %dma_start3A_470] : memref<100000x128xf32, #tpu.memory_space<hbm>> -> memref<104x128xf32, #tpu.memory_space<hbm>>
      tpu.enqueue_dma source(%arg11 : memref<104x128xf32, #tpu.memory_space<vmem>>) target(%dma_start3A_471 : memref<104x128xf32, #tpu.memory_space<hbm>>) target_semaphore(%arg25 : memref<!tpu.dma_semaphore, #tpu.memory_space<semaphore_mem>>)
    }
    %scan3A_163 = arith.constant 4 : i32
    %dma_wait3A_164 = arith.constant 0 : i32
    %dma_wait3A_165 = arith.constant 0 : i32
    %dma_wait3A_166 = tpu.memref_slice %arg5[%dma_wait3A_164, %dma_wait3A_165] : memref<100000x128xf32, #tpu.memory_space<hbm>> -> memref<104x128xf32, #tpu.memory_space<hbm>>
    %dma_wait3A_167 = arith.constant 0 : i32
    %dma_wait3A_168 = arith.constant 0 : i32
    %dma_wait3A_169 = tpu.memref_slice %arg5[%dma_wait3A_167, %dma_wait3A_168] : memref<100000x128xf32, #tpu.memory_space<hbm>> -> memref<104x128xf32, #tpu.memory_space<hbm>>
    tpu.wait_dma2 semaphore(%arg23 : memref<!tpu.dma_semaphore, #tpu.memory_space<semaphore_mem>>) src(%arg9 : memref<104x128xf32, #tpu.memory_space<vmem>>) dst(%dma_wait3A_169 : memref<104x128xf32, #tpu.memory_space<hbm>>)
    %dma_start3A_170 = arith.constant 27 : i32
    %dma_start3A_171 = arith.constant 0 : i32
    %dma_start3A_172 = tpu.memref_slice %arg6[%dma_start3A_170, %dma_start3A_171] : memref<30x104xi32, #tpu.memory_space<vmem>> -> memref<1x104xi32, #tpu.memory_space<vmem>>
    %dma_start3A_173 = tpu.memref_squeeze %dma_start3A_172 : memref<1x104xi32, #tpu.memory_space<vmem>> -> memref<104xi32, #tpu.memory_space<vmem>>
    %dma_start3A_174 = arith.constant 0 : i32
    %dma_start3A_175 = arith.constant 0 : i32
    %dma_start3A_176 = tpu.memref_slice %arg15[%dma_start3A_174, %dma_start3A_175] : memref<95x128xf32, #tpu.memory_space<vmem_shared>> -> memref<95x128xf32, #tpu.memory_space<vmem_shared>>
    tpu.enqueue_indirect_dma source(%dma_start3A_176 : memref<95x128xf32, #tpu.memory_space<vmem_shared>>) target(%arg9 : memref<104x128xf32, #tpu.memory_space<vmem>>) offsets(%dma_start3A_173 : memref<104xi32, #tpu.memory_space<vmem>>) semaphore(%arg18 : memref<!tpu.dma_semaphore, #tpu.memory_space<semaphore_mem>>)
    %dma_wait3A_177 = arith.constant 0 : i32
    %dma_wait3A_178 = arith.constant 0 : i32
    %dma_wait3A_179 = tpu.memref_slice %arg6[%dma_wait3A_177, %dma_wait3A_178] : memref<30x104xi32, #tpu.memory_space<vmem>> -> memref<1x104xi32, #tpu.memory_space<vmem>>
    %dma_wait3A_180 = tpu.memref_squeeze %dma_wait3A_179 : memref<1x104xi32, #tpu.memory_space<vmem>> -> memref<104xi32, #tpu.memory_space<vmem>>
    %dma_wait3A_181 = arith.constant 0 : i32
    %dma_wait3A_182 = arith.constant 0 : i32
    %dma_wait3A_183 = tpu.memref_slice %arg15[%dma_wait3A_181, %dma_wait3A_182] : memref<95x128xf32, #tpu.memory_space<vmem_shared>> -> memref<95x128xf32, #tpu.memory_space<vmem_shared>>
    tpu.wait_indirect_dma semaphore(%arg16 : memref<!tpu.dma_semaphore, #tpu.memory_space<semaphore_mem>>) src(%dma_wait3A_183 : memref<95x128xf32, #tpu.memory_space<vmem_shared>>) dst(%arg7 : memref<104x128xf32, #tpu.memory_space<vmem>>)
    %add3A_184 = arith.constant 2600 : i32
    %add3A_185 = arith.addi %multiple_of3A, %add3A_184 : i32
    %multiple_of3A_186 = tpu.assume_multiple %add3A_185, 8 : i32
    %dma_start3A_187 = arith.constant 0 : i32
    %dma_start3A_188 = tpu.memref_slice %arg5[%multiple_of3A_186, %dma_start3A_187] : memref<100000x128xf32, #tpu.memory_space<hbm>> -> memref<104x128xf32, #tpu.memory_space<hbm>>
    %dma_start3A_189 = arith.constant 0 : i32
    %dma_start3A_190 = tpu.memref_slice %arg5[%multiple_of3A_186, %dma_start3A_189] : memref<100000x128xf32, #tpu.memory_space<hbm>> -> memref<104x128xf32, #tpu.memory_space<hbm>>
    tpu.enqueue_dma source(%arg7 : memref<104x128xf32, #tpu.memory_space<vmem>>) target(%dma_start3A_190 : memref<104x128xf32, #tpu.memory_space<hbm>>) target_semaphore(%arg21 : memref<!tpu.dma_semaphore, #tpu.memory_space<semaphore_mem>>)
    %dma_wait3A_191 = arith.constant 0 : i32
    %dma_wait3A_192 = arith.constant 0 : i32
    %dma_wait3A_193 = tpu.memref_slice %arg5[%dma_wait3A_191, %dma_wait3A_192] : memref<100000x128xf32, #tpu.memory_space<hbm>> -> memref<104x128xf32, #tpu.memory_space<hbm>>
    %dma_wait3A_194 = arith.constant 0 : i32
    %dma_wait3A_195 = arith.constant 0 : i32
    %dma_wait3A_196 = tpu.memref_slice %arg5[%dma_wait3A_194, %dma_wait3A_195] : memref<100000x128xf32, #tpu.memory_space<hbm>> -> memref<104x128xf32, #tpu.memory_space<hbm>>
    tpu.wait_dma2 semaphore(%arg24 : memref<!tpu.dma_semaphore, #tpu.memory_space<semaphore_mem>>) src(%arg10 : memref<104x128xf32, #tpu.memory_space<vmem>>) dst(%dma_wait3A_196 : memref<104x128xf32, #tpu.memory_space<hbm>>)
    %dma_start3A_197 = arith.constant 28 : i32
    %dma_start3A_198 = arith.constant 0 : i32
    %dma_start3A_199 = tpu.memref_slice %arg6[%dma_start3A_197, %dma_start3A_198] : memref<30x104xi32, #tpu.memory_space<vmem>> -> memref<1x104xi32, #tpu.memory_space<vmem>>
    %dma_start3A_200 = tpu.memref_squeeze %dma_start3A_199 : memref<1x104xi32, #tpu.memory_space<vmem>> -> memref<104xi32, #tpu.memory_space<vmem>>
    %dma_start3A_201 = arith.constant 0 : i32
    %dma_start3A_202 = arith.constant 0 : i32
    %dma_start3A_203 = tpu.memref_slice %arg15[%dma_start3A_201, %dma_start3A_202] : memref<95x128xf32, #tpu.memory_space<vmem_shared>> -> memref<95x128xf32, #tpu.memory_space<vmem_shared>>
    tpu.enqueue_indirect_dma source(%dma_start3A_203 : memref<95x128xf32, #tpu.memory_space<vmem_shared>>) target(%arg10 : memref<104x128xf32, #tpu.memory_space<vmem>>) offsets(%dma_start3A_200 : memref<104xi32, #tpu.memory_space<vmem>>) semaphore(%arg19 : memref<!tpu.dma_semaphore, #tpu.memory_space<semaphore_mem>>)
    %dma_wait3A_204 = arith.constant 0 : i32
    %dma_wait3A_205 = arith.constant 0 : i32
    %dma_wait3A_206 = tpu.memref_slice %arg6[%dma_wait3A_204, %dma_wait3A_205] : memref<30x104xi32, #tpu.memory_space<vmem>> -> memref<1x104xi32, #tpu.memory_space<vmem>>
    %dma_wait3A_207 = tpu.memref_squeeze %dma_wait3A_206 : memref<1x104xi32, #tpu.memory_space<vmem>> -> memref<104xi32, #tpu.memory_space<vmem>>
    %dma_wait3A_208 = arith.constant 0 : i32
    %dma_wait3A_209 = arith.constant 0 : i32
    %dma_wait3A_210 = tpu.memref_slice %arg15[%dma_wait3A_208, %dma_wait3A_209] : memref<95x128xf32, #tpu.memory_space<vmem_shared>> -> memref<95x128xf32, #tpu.memory_space<vmem_shared>>
    tpu.wait_indirect_dma semaphore(%arg17 : memref<!tpu.dma_semaphore, #tpu.memory_space<semaphore_mem>>) src(%dma_wait3A_210 : memref<95x128xf32, #tpu.memory_space<vmem_shared>>) dst(%arg8 : memref<104x128xf32, #tpu.memory_space<vmem>>)
    %add3A_211 = arith.constant 2704 : i32
    %add3A_212 = arith.addi %multiple_of3A, %add3A_211 : i32
    %multiple_of3A_213 = tpu.assume_multiple %add3A_212, 8 : i32
    %dma_start3A_214 = arith.constant 0 : i32
    %dma_start3A_215 = tpu.memref_slice %arg5[%multiple_of3A_213, %dma_start3A_214] : memref<100000x128xf32, #tpu.memory_space<hbm>> -> memref<104x128xf32, #tpu.memory_space<hbm>>
    %dma_start3A_216 = arith.constant 0 : i32
    %dma_start3A_217 = tpu.memref_slice %arg5[%multiple_of3A_213, %dma_start3A_216] : memref<100000x128xf32, #tpu.memory_space<hbm>> -> memref<104x128xf32, #tpu.memory_space<hbm>>
    tpu.enqueue_dma source(%arg8 : memref<104x128xf32, #tpu.memory_space<vmem>>) target(%dma_start3A_217 : memref<104x128xf32, #tpu.memory_space<hbm>>) target_semaphore(%arg22 : memref<!tpu.dma_semaphore, #tpu.memory_space<semaphore_mem>>)
    %dma_wait3A_218 = arith.constant 0 : i32
    %dma_wait3A_219 = arith.constant 0 : i32
    %dma_wait3A_220 = tpu.memref_slice %arg5[%dma_wait3A_218, %dma_wait3A_219] : memref<100000x128xf32, #tpu.memory_space<hbm>> -> memref<104x128xf32, #tpu.memory_space<hbm>>
    %dma_wait3A_221 = arith.constant 0 : i32
    %dma_wait3A_222 = arith.constant 0 : i32
    %dma_wait3A_223 = tpu.memref_slice %arg5[%dma_wait3A_221, %dma_wait3A_222] : memref<100000x128xf32, #tpu.memory_space<hbm>> -> memref<104x128xf32, #tpu.memory_space<hbm>>
    tpu.wait_dma2 semaphore(%arg25 : memref<!tpu.dma_semaphore, #tpu.memory_space<semaphore_mem>>) src(%arg11 : memref<104x128xf32, #tpu.memory_space<vmem>>) dst(%dma_wait3A_223 : memref<104x128xf32, #tpu.memory_space<hbm>>)
    %dma_start3A_224 = arith.constant 29 : i32
    %dma_start3A_225 = arith.constant 0 : i32
    %dma_start3A_226 = tpu.memref_slice %arg6[%dma_start3A_224, %dma_start3A_225] : memref<30x104xi32, #tpu.memory_space<vmem>> -> memref<1x104xi32, #tpu.memory_space<vmem>>
    %dma_start3A_227 = tpu.memref_squeeze %dma_start3A_226 : memref<1x104xi32, #tpu.memory_space<vmem>> -> memref<104xi32, #tpu.memory_space<vmem>>
    %dma_start3A_228 = arith.constant 0 : i32
    %dma_start3A_229 = arith.constant 0 : i32
    %dma_start3A_230 = tpu.memref_slice %arg15[%dma_start3A_228, %dma_start3A_229] : memref<95x128xf32, #tpu.memory_space<vmem_shared>> -> memref<95x128xf32, #tpu.memory_space<vmem_shared>>
    tpu.enqueue_indirect_dma source(%dma_start3A_230 : memref<95x128xf32, #tpu.memory_space<vmem_shared>>) target(%arg11 : memref<104x128xf32, #tpu.memory_space<vmem>>) offsets(%dma_start3A_227 : memref<104xi32, #tpu.memory_space<vmem>>) semaphore(%arg20 : memref<!tpu.dma_semaphore, #tpu.memory_space<semaphore_mem>>)
    %dma_wait3A_231 = arith.constant 0 : i32
    %dma_wait3A_232 = arith.constant 0 : i32
    %dma_wait3A_233 = tpu.memref_slice %arg6[%dma_wait3A_231, %dma_wait3A_232] : memref<30x104xi32, #tpu.memory_space<vmem>> -> memref<1x104xi32, #tpu.memory_space<vmem>>
    %dma_wait3A_234 = tpu.memref_squeeze %dma_wait3A_233 : memref<1x104xi32, #tpu.memory_space<vmem>> -> memref<104xi32, #tpu.memory_space<vmem>>
    %dma_wait3A_235 = arith.constant 0 : i32
    %dma_wait3A_236 = arith.constant 0 : i32
    %dma_wait3A_237 = tpu.memref_slice %arg15[%dma_wait3A_235, %dma_wait3A_236] : memref<95x128xf32, #tpu.memory_space<vmem_shared>> -> memref<95x128xf32, #tpu.memory_space<vmem_shared>>
    tpu.wait_indirect_dma semaphore(%arg18 : memref<!tpu.dma_semaphore, #tpu.memory_space<semaphore_mem>>) src(%dma_wait3A_237 : memref<95x128xf32, #tpu.memory_space<vmem_shared>>) dst(%arg9 : memref<104x128xf32, #tpu.memory_space<vmem>>)
    %add3A_238 = arith.constant 2808 : i32
    %add3A_239 = arith.addi %multiple_of3A, %add3A_238 : i32
    %multiple_of3A_240 = tpu.assume_multiple %add3A_239, 8 : i32
    %dma_start3A_241 = arith.constant 0 : i32
    %dma_start3A_242 = tpu.memref_slice %arg5[%multiple_of3A_240, %dma_start3A_241] : memref<100000x128xf32, #tpu.memory_space<hbm>> -> memref<104x128xf32, #tpu.memory_space<hbm>>
    %dma_start3A_243 = arith.constant 0 : i32
    %dma_start3A_244 = tpu.memref_slice %arg5[%multiple_of3A_240, %dma_start3A_243] : memref<100000x128xf32, #tpu.memory_space<hbm>> -> memref<104x128xf32, #tpu.memory_space<hbm>>
    tpu.enqueue_dma source(%arg9 : memref<104x128xf32, #tpu.memory_space<vmem>>) target(%dma_start3A_244 : memref<104x128xf32, #tpu.memory_space<hbm>>) target_semaphore(%arg23 : memref<!tpu.dma_semaphore, #tpu.memory_space<semaphore_mem>>)
    %dma_wait3A_245 = arith.constant 0 : i32
    %dma_wait3A_246 = arith.constant 0 : i32
    %dma_wait3A_247 = tpu.memref_slice %arg5[%dma_wait3A_245, %dma_wait3A_246] : memref<100000x128xf32, #tpu.memory_space<hbm>> -> memref<104x128xf32, #tpu.memory_space<hbm>>
    %dma_wait3A_248 = arith.constant 0 : i32
    %dma_wait3A_249 = arith.constant 0 : i32
    %dma_wait3A_250 = tpu.memref_slice %arg5[%dma_wait3A_248, %dma_wait3A_249] : memref<100000x128xf32, #tpu.memory_space<hbm>> -> memref<104x128xf32, #tpu.memory_space<hbm>>
    tpu.wait_dma2 semaphore(%arg21 : memref<!tpu.dma_semaphore, #tpu.memory_space<semaphore_mem>>) src(%arg7 : memref<104x128xf32, #tpu.memory_space<vmem>>) dst(%dma_wait3A_250 : memref<104x128xf32, #tpu.memory_space<hbm>>)
    %dma_wait3A_251 = arith.constant 0 : i32
    %dma_wait3A_252 = arith.constant 0 : i32
    %dma_wait3A_253 = tpu.memref_slice %arg6[%dma_wait3A_251, %dma_wait3A_252] : memref<30x104xi32, #tpu.memory_space<vmem>> -> memref<1x104xi32, #tpu.memory_space<vmem>>
    %dma_wait3A_254 = tpu.memref_squeeze %dma_wait3A_253 : memref<1x104xi32, #tpu.memory_space<vmem>> -> memref<104xi32, #tpu.memory_space<vmem>>
    %dma_wait3A_255 = arith.constant 0 : i32
    %dma_wait3A_256 = arith.constant 0 : i32
    %dma_wait3A_257 = tpu.memref_slice %arg15[%dma_wait3A_255, %dma_wait3A_256] : memref<95x128xf32, #tpu.memory_space<vmem_shared>> -> memref<95x128xf32, #tpu.memory_space<vmem_shared>>
    tpu.wait_indirect_dma semaphore(%arg19 : memref<!tpu.dma_semaphore, #tpu.memory_space<semaphore_mem>>) src(%dma_wait3A_257 : memref<95x128xf32, #tpu.memory_space<vmem_shared>>) dst(%arg10 : memref<104x128xf32, #tpu.memory_space<vmem>>)
    %add3A_258 = arith.constant 2912 : i32
    %add3A_259 = arith.addi %multiple_of3A, %add3A_258 : i32
    %multiple_of3A_260 = tpu.assume_multiple %add3A_259, 8 : i32
    %dma_start3A_261 = arith.constant 0 : i32
    %dma_start3A_262 = tpu.memref_slice %arg5[%multiple_of3A_260, %dma_start3A_261] : memref<100000x128xf32, #tpu.memory_space<hbm>> -> memref<104x128xf32, #tpu.memory_space<hbm>>
    %dma_start3A_263 = arith.constant 0 : i32
    %dma_start3A_264 = tpu.memref_slice %arg5[%multiple_of3A_260, %dma_start3A_263] : memref<100000x128xf32, #tpu.memory_space<hbm>> -> memref<104x128xf32, #tpu.memory_space<hbm>>
    tpu.enqueue_dma source(%arg10 : memref<104x128xf32, #tpu.memory_space<vmem>>) target(%dma_start3A_264 : memref<104x128xf32, #tpu.memory_space<hbm>>) target_semaphore(%arg24 : memref<!tpu.dma_semaphore, #tpu.memory_space<semaphore_mem>>)
    %dma_wait3A_265 = arith.constant 0 : i32
    %dma_wait3A_266 = arith.constant 0 : i32
    %dma_wait3A_267 = tpu.memref_slice %arg5[%dma_wait3A_265, %dma_wait3A_266] : memref<100000x128xf32, #tpu.memory_space<hbm>> -> memref<104x128xf32, #tpu.memory_space<hbm>>
    %dma_wait3A_268 = arith.constant 0 : i32
    %dma_wait3A_269 = arith.constant 0 : i32
    %dma_wait3A_270 = tpu.memref_slice %arg5[%dma_wait3A_268, %dma_wait3A_269] : memref<100000x128xf32, #tpu.memory_space<hbm>> -> memref<104x128xf32, #tpu.memory_space<hbm>>
    tpu.wait_dma2 semaphore(%arg22 : memref<!tpu.dma_semaphore, #tpu.memory_space<semaphore_mem>>) src(%arg8 : memref<104x128xf32, #tpu.memory_space<vmem>>) dst(%dma_wait3A_270 : memref<104x128xf32, #tpu.memory_space<hbm>>)
    %dma_wait3A_271 = arith.constant 0 : i32
    %dma_wait3A_272 = arith.constant 0 : i32
    %dma_wait3A_273 = tpu.memref_slice %arg6[%dma_wait3A_271, %dma_wait3A_272] : memref<30x104xi32, #tpu.memory_space<vmem>> -> memref<1x104xi32, #tpu.memory_space<vmem>>
    %dma_wait3A_274 = tpu.memref_squeeze %dma_wait3A_273 : memref<1x104xi32, #tpu.memory_space<vmem>> -> memref<104xi32, #tpu.memory_space<vmem>>
    %dma_wait3A_275 = arith.constant 0 : i32
    %dma_wait3A_276 = arith.constant 0 : i32
    %dma_wait3A_277 = tpu.memref_slice %arg15[%dma_wait3A_275, %dma_wait3A_276] : memref<95x128xf32, #tpu.memory_space<vmem_shared>> -> memref<95x128xf32, #tpu.memory_space<vmem_shared>>
    tpu.wait_indirect_dma semaphore(%arg20 : memref<!tpu.dma_semaphore, #tpu.memory_space<semaphore_mem>>) src(%dma_wait3A_277 : memref<95x128xf32, #tpu.memory_space<vmem_shared>>) dst(%arg11 : memref<104x128xf32, #tpu.memory_space<vmem>>)
    %add3A_278 = arith.constant 3016 : i32
    %add3A_279 = arith.addi %multiple_of3A, %add3A_278 : i32
    %multiple_of3A_280 = tpu.assume_multiple %add3A_279, 8 : i32
    %dma_start3A_281 = arith.constant 0 : i32
    %dma_start3A_282 = tpu.memref_slice %arg5[%multiple_of3A_280, %dma_start3A_281] : memref<100000x128xf32, #tpu.memory_space<hbm>> -> memref<104x128xf32, #tpu.memory_space<hbm>>
    %dma_start3A_283 = arith.constant 0 : i32
    %dma_start3A_284 = tpu.memref_slice %arg5[%multiple_of3A_280, %dma_start3A_283] : memref<100000x128xf32, #tpu.memory_space<hbm>> -> memref<104x128xf32, #tpu.memory_space<hbm>>
    tpu.enqueue_dma source(%arg11 : memref<104x128xf32, #tpu.memory_space<vmem>>) target(%dma_start3A_284 : memref<104x128xf32, #tpu.memory_space<hbm>>) target_semaphore(%arg25 : memref<!tpu.dma_semaphore, #tpu.memory_space<semaphore_mem>>)
    %convert_element_type3A_285 = arith.extui %lt3A_24 : i1 to i32
    %cond3A_286 = arith.constant 0 : i32
    %cond3A_287 = arith.cmpi ne, %convert_element_type3A_285, %cond3A_286 : i32
    scf.if %cond3A_287 {
      %mul3A_306 = arith.constant 8 : i32
      %mul3A_307 = arith.muli %add3A, %mul3A_306 : i32
      %add3A_308 = arith.constant 99840 : i32
      %add3A_309 = arith.addi %add3A_308, %mul3A_307 : i32
      %multiple_of3A_310 = tpu.assume_multiple %add3A_309, 8 : i32
      %dma_wait3A_311 = arith.constant 0 : i32
      %dma_wait3A_312 = arith.constant 0 : i32
      %dma_wait3A_313 = tpu.memref_slice %arg15[%dma_wait3A_311, %dma_wait3A_312] : memref<95x128xf32, #tpu.memory_space<vmem_shared>> -> memref<95x128xf32, #tpu.memory_space<vmem_shared>>
      tpu.wait_indirect_dma semaphore(%arg26 : memref<!tpu.dma_semaphore, #tpu.memory_space<semaphore_mem>>) src(%dma_wait3A_313 : memref<95x128xf32, #tpu.memory_space<vmem_shared>>) dst(%arg13 : memref<8x128xf32, #tpu.memory_space<vmem>>)
      "tpu.region"() ({
        %run_scoped3A = tpu.sem_alloc : memref<!tpu.dma_semaphore, #tpu.memory_space<semaphore_mem>>
        %dma_start3A_314 = arith.constant 0 : i32
        %dma_start3A_315 = tpu.memref_slice %arg5[%multiple_of3A_310, %dma_start3A_314] : memref<100000x128xf32, #tpu.memory_space<hbm>> -> memref<8x128xf32, #tpu.memory_space<hbm>>
        %dma_start3A_316 = arith.constant 0 : i32
        %dma_start3A_317 = tpu.memref_slice %arg5[%multiple_of3A_310, %dma_start3A_316] : memref<100000x128xf32, #tpu.memory_space<hbm>> -> memref<8x128xf32, #tpu.memory_space<hbm>>
        tpu.enqueue_dma source(%arg13 : memref<8x128xf32, #tpu.memory_space<vmem>>) target(%dma_start3A_317 : memref<8x128xf32, #tpu.memory_space<hbm>>) target_semaphore(%run_scoped3A : memref<!tpu.dma_semaphore, #tpu.memory_space<semaphore_mem>>)
        %dma_wait3A_318 = arith.constant 0 : i32
        %dma_wait3A_319 = tpu.memref_slice %arg5[%multiple_of3A_310, %dma_wait3A_318] : memref<100000x128xf32, #tpu.memory_space<hbm>> -> memref<8x128xf32, #tpu.memory_space<hbm>>
        %dma_wait3A_320 = arith.constant 0 : i32
        %dma_wait3A_321 = tpu.memref_slice %arg5[%multiple_of3A_310, %dma_wait3A_320] : memref<100000x128xf32, #tpu.memory_space<hbm>> -> memref<8x128xf32, #tpu.memory_space<hbm>>
        tpu.wait_dma2 semaphore(%run_scoped3A : memref<!tpu.dma_semaphore, #tpu.memory_space<semaphore_mem>>) src(%arg13 : memref<8x128xf32, #tpu.memory_space<vmem>>) dst(%dma_wait3A_321 : memref<8x128xf32, #tpu.memory_space<hbm>>)
        tpu.yield
      }) : () -> ()
    } else {
    }
    %dma_wait3A_288 = arith.constant 0 : i32
    %dma_wait3A_289 = arith.constant 0 : i32
    %dma_wait3A_290 = tpu.memref_slice %arg5[%dma_wait3A_288, %dma_wait3A_289] : memref<100000x128xf32, #tpu.memory_space<hbm>> -> memref<104x128xf32, #tpu.memory_space<hbm>>
    %dma_wait3A_291 = arith.constant 0 : i32
    %dma_wait3A_292 = arith.constant 0 : i32
    %dma_wait3A_293 = tpu.memref_slice %arg5[%dma_wait3A_291, %dma_wait3A_292] : memref<100000x128xf32, #tpu.memory_space<hbm>> -> memref<104x128xf32, #tpu.memory_space<hbm>>
    tpu.wait_dma2 semaphore(%arg23 : memref<!tpu.dma_semaphore, #tpu.memory_space<semaphore_mem>>) src(%arg9 : memref<104x128xf32, #tpu.memory_space<vmem>>) dst(%dma_wait3A_293 : memref<104x128xf32, #tpu.memory_space<hbm>>)
    %dma_wait3A_294 = arith.constant 0 : i32
    %dma_wait3A_295 = arith.constant 0 : i32
    %dma_wait3A_296 = tpu.memref_slice %arg5[%dma_wait3A_294, %dma_wait3A_295] : memref<100000x128xf32, #tpu.memory_space<hbm>> -> memref<104x128xf32, #tpu.memory_space<hbm>>
    %dma_wait3A_297 = arith.constant 0 : i32
    %dma_wait3A_298 = arith.constant 0 : i32
    %dma_wait3A_299 = tpu.memref_slice %arg5[%dma_wait3A_297, %dma_wait3A_298] : memref<100000x128xf32, #tpu.memory_space<hbm>> -> memref<104x128xf32, #tpu.memory_space<hbm>>
    tpu.wait_dma2 semaphore(%arg24 : memref<!tpu.dma_semaphore, #tpu.memory_space<semaphore_mem>>) src(%arg10 : memref<104x128xf32, #tpu.memory_space<vmem>>) dst(%dma_wait3A_299 : memref<104x128xf32, #tpu.memory_space<hbm>>)
    %dma_wait3A_300 = arith.constant 0 : i32
    %dma_wait3A_301 = arith.constant 0 : i32
    %dma_wait3A_302 = tpu.memref_slice %arg5[%dma_wait3A_300, %dma_wait3A_301] : memref<100000x128xf32, #tpu.memory_space<hbm>> -> memref<104x128xf32, #tpu.memory_space<hbm>>
    %dma_wait3A_303 = arith.constant 0 : i32
    %dma_wait3A_304 = arith.constant 0 : i32
    %dma_wait3A_305 = tpu.memref_slice %arg5[%dma_wait3A_303, %dma_wait3A_304] : memref<100000x128xf32, #tpu.memory_space<hbm>> -> memref<104x128xf32, #tpu.memory_space<hbm>>
    tpu.wait_dma2 semaphore(%arg25 : memref<!tpu.dma_semaphore, #tpu.memory_space<semaphore_mem>>) src(%arg11 : memref<104x128xf32, #tpu.memory_space<vmem>>) dst(%dma_wait3A_305 : memref<104x128xf32, #tpu.memory_space<hbm>>)
    return
  }
}

</mosaic_0001>

<sc_bundles>
// kernel: kernel.3.cloned.1.call-start
scs
__scs_entry_jumppad:
0x0: {  	(pc) =	sbr.rel $0x88, $3  }
0x1: {  	(tag) =	ssettag $0x0;
	lr =	simm.s32 $0x1  }
0x2: {  	[smem:$0x3F9F] =	sst lr;
	_ =	strace $0xD0000000  }
0x3: {  	_ = 	snop  }
0x4: {  	_ = 	snop  }
0x5: {  	_ = 	snop  }
0x6: {  	_ = 	snop  }
0x7: {  	_ = 	snop  }
__scs_overlays_trampoline_lowered:
0x8: {  	[smem:$0x3FAE] =	sst s0  }
0x9: {  	[smem:$0x3FAF] =	sst s1  }
0xa: {  	[smem:$0x3FB0] =	sst s2  }
0xb: {  	[smem:$0x3FB1] =	sst s3  }
0xc: {  	[smem:$0x3FB2] =	sst s4  }
0xd: {  	[smem:$0x3FB3] =	sst s5  }
0xe: {  	[smem:$0x3FB4] =	sst s6  }
0xf: {  	[smem:$0x3FB5] =	sst s7  }
0x10: {  	[smem:$0x3FB6] =	sst s8  }
0x11: {  	[smem:$0x3FB7] =	sst s9;
	s0 =	simm.s32 @!p0 $0x0  }
0x12: {  	s1 =	sld [smem:$0x3F9D];
	s0 =	simm.s32 @p0 $0x1  }
0x13: {  	[smem:$0x3FB8] =	sst s0;
	s0 =	simm.s32 @!p1 $0x0  }
0x14: {  	s2 =	sld [smem:$0x3F9C];
	s0 =	simm.s32 @p1 $0x1  }
0x15: {  	[smem:$0x3FB9] =	sst s0;
	s0 =	simm.s32 @!p2 $0x0  }
0x16: {  	s3 =	sld [smem:$0x3FDB];
	s0 =	simm.s32 @p2 $0x1  }
0x17: {  	s4 =	simm.s32 $0x1BF5;
	[smem:$0x3FBB] =	sst s0  }
0x18: {  	s0 =	sld [smem:$0x3F9E];
	_ =	swait.ge [sflag:s4], $0x0  }
0x19: {  	s7 =	sld [smem:$0x3F9F]  }
0x1a: {  	s8 =	sadd.s32 $0xFFFFE003, lr  }
0x1b: {  	s9 =	sadd.s32 $0xFFFFFEF7, lr;
	s5 =	simm.s32 $0xFFFFFFFF;
	p2 =	slt.u32 s8, $0xFFFFF086  }
0x1c: {  	p1 =	slt.u32 s9, $0xF7A;
	s5 =	simm.s32 @!p2 $0x0  }
0x1d: {  	s5 =	simm.s32 @p1 $0x1;
	p0 =	seq.s32 s7, s2  }
0x1e: {  	s7 =	smul.u32 @!p0 $0xF7A, s2;
	p2 =	seq.s32 @!p0 s5, $0x0  }
0x1f: {  	s9 =	smul.u32 $0xF7A, s1;
	s8 =	simm.s32 @!p0 $0x1BF5;
	p2 =	por !p2, p0  }
0x20: {  	[sflag:s8] =	ssyncset.s32 @!p0 $0xFFFFF086;
	s6 =	sadd.s32 @!p0 s3, s7;
	s7 =	simm.s32 @!p0 $0x108  }
0x21: {  	s3 =	sadd.s32 s3, s9;
	s6 =	sadd.s32 @!p0 $0x88, s6;
	s7 =	simm.s32 @p2 $0x1082  }
0x22: {  	[simem:s7], [sflag:s8] =	dma.local @!p0 [hbm:s6], $0xF7A  }
0x23: {  	s9 =	sor.u32 $0xD0000000, s2;
	s6 =	simm.s32 $0x108;
	_ =	swait.ge @!p0 [sflag:s8], $0x0  }
0x24: {  	s3 =	sadd.s32 $0x88, s3;
	s6 =	simm.s32 @!p1 $0x1082;
	[sflag:s4] =	ssyncset.s32 $0xFFFFF086  }
0x25: {  	[simem:s6], [sflag:s4] =	dma.local [hbm:s3], $0xF7A  }
0x26: {  	[smem:$0x3F9F] =	sst s1;
	(tag) =	ssettag s2;
	_ =	strace s9  }
0x27: {  	s1 =	sld [smem:$0x3FAF]  }
0x28: {  	s2 =	sld [smem:$0x3FB0]  }
0x29: {  	s4 =	sld [smem:$0x3FB2]  }
0x2a: {  	p0 =	seq.s32 s5, $0x0;
	s5 =	sld [smem:$0x3FB3]  }
0x2b: {  	s6 =	sld [smem:$0x3FB4]  }
0x2c: {  	s7 =	sld [smem:$0x3FB5]  }
0x2d: {  	s3 =	simm.s32 $0x108;
	s8 =	sld [smem:$0x3FB6]  }
0x2e: {  	s3 =	simm.s32 @!p0 $0x1082;
	s9 =	sld [smem:$0x3FB7]  }
0x2f: {  	lr =	sadd.s32 s0, s3;
	s0 =	sld [smem:$0x3FAE]  }
0x30: {  	s3 =	sld [smem:$0x3FB1]  }
0x31: {  	[smem:$0x3FBA] =	sst s10  }
0x32: {  	s10 =	sld [smem:$0x3FB8];
	_ =	sdelay $0x3  }
0x33: {  	p0 =	seq.s32 s10, $0x1;
	s10 =	sld [smem:$0x3FBA];
	_ =	sdelay $0x3  }
0x34: {  	[smem:$0x3FBA] =	sst s10  }
0x35: {  	s10 =	sld [smem:$0x3FB9];
	_ =	sdelay $0x3  }
0x36: {  	p1 =	seq.s32 s10, $0x1;
	s10 =	sld [smem:$0x3FBA];
	_ =	sdelay $0x3  }
0x37: {  	[smem:$0x3FBA] =	sst s10  }
0x38: {  	s10 =	sld [smem:$0x3FBB]  }
0x39: {  	_ = 	snop;
	(pc) =	sbr.ind lr, $3  }
0x3a: {  	_ = 	snop  }
0x3b: {  	_ = 	snop  }
0x3c: {  	p2 =	seq.s32 s10, $0x1;
	s10 =	sld [smem:$0x3FBA]  }
0x3d: {  	_ =	shalt  }
0x3e: {  	_ =	shalt  }
0x3f: {  	_ =	shalt  }
0x40: {  	_ =	shalt  }
0x41: {  	_ =	shalt  }
0x42: {  	_ =	shalt  }
0x43: {  	_ =	shalt  }
0x44: {  	_ =	shalt  }
0x45: {  	_ =	shalt  }
0x46: {  	_ =	shalt  }
0x47: {  	_ =	shalt  }
0x48: {  	_ =	shalt  }
0x49: {  	_ =	shalt  }
0x4a: {  	_ =	shalt  }
0x4b: {  	_ =	shalt  }
0x4c: {  	_ =	shalt  }
0x4d: {  	_ =	shalt  }
0x4e: {  	_ =	shalt  }
0x4f: {  	_ =	shalt  }
0x50: {  	_ =	shalt  }
0x51: {  	_ =	shalt  }
0x52: {  	_ =	shalt  }
0x53: {  	_ =	shalt  }
0x54: {  	_ =	shalt  }
0x55: {  	_ =	shalt  }
0x56: {  	_ =	shalt  }
0x57: {  	_ =	shalt  }
0x58: {  	_ =	shalt  }
0x59: {  	_ =	shalt  }
0x5a: {  	_ =	shalt  }
0x5b: {  	_ =	shalt  }
0x5c: {  	_ =	shalt  }
0x5d: {  	_ =	shalt  }
0x5e: {  	_ =	shalt  }
0x5f: {  	_ =	shalt  }
0x60: {  	_ =	shalt  }
0x61: {  	_ =	shalt  }
0x62: {  	_ =	shalt  }
0x63: {  	_ =	shalt  }
0x64: {  	_ =	shalt  }
0x65: {  	_ =	shalt  }
0x66: {  	_ =	shalt  }
0x67: {  	_ =	shalt  }
0x68: {  	_ =	shalt  }
0x69: {  	_ =	shalt  }
0x6a: {  	_ =	shalt  }
0x6b: {  	_ =	shalt  }
0x6c: {  	_ =	shalt  }
0x6d: {  	_ =	shalt  }
0x6e: {  	_ =	shalt  }
0x6f: {  	_ =	shalt  }
0x70: {  	_ =	shalt  }
0x71: {  	_ =	shalt  }
0x72: {  	_ =	shalt  }
0x73: {  	_ =	shalt  }
0x74: {  	_ =	shalt  }
0x75: {  	_ =	shalt  }
0x76: {  	_ =	shalt  }
0x77: {  	_ =	shalt  }
0x78: {  	_ =	shalt  }
0x79: {  	_ =	shalt  }
0x7a: {  	_ =	shalt  }
0x7b: {  	_ =	shalt  }
0x7c: {  	_ =	shalt  }
0x7d: {  	_ =	shalt  }
0x7e: {  	_ =	shalt  }
0x7f: {  	_ =	shalt  }
0x80: {  	_ =	shalt  }
0x81: {  	_ =	shalt  }
0x82: {  	_ =	shalt  }
0x83: {  	_ =	shalt  }
0x84: {  	_ =	shalt  }
0x85: {  	_ =	shalt  }
0x86: {  	_ =	shalt  }
0x87: {  	_ =	shalt  }
.Lfunc_end0:
.L_simem_size_0:
called_computation_lowered:
.L_overlay_start_0:
0x88: {  	s2 =	sld [smem:$0x3FD9]  }
0x89: {  	s3 =	sld [smem:$0x3FFE];
	_ =	sdelay $0x1  }
0x8a: {  	s1 =	srdreg.scid  }
0x8b: {  	s0 =	sand.u32 $0x1, s1  }
0x8c: {  	s17 =	sshll.u32 s0, $0xA;
	s2 =	sadd.s32 s3, s2  }
0x8d: {  	s2 =	sadd.s32 s2, s17  }
0x8e: {  	[smem:$0x3FC6] =	sst s2  }
0x8f: {  	_ = 	snop  }
0x90: {  	s2 =	sld [smem:$0x3FC8]  }
0x91: {  	s18 =	sld [smem:$0x3FD0];
	(tm) =	ssettm $0x1  }
0x92: {  	s4 =	sld [smem:$0x3FFB];
	_ =	sdelay $0x3  }
0x93: {  	_ =	strace s4  }
0x94: {  	s4 =	sld [smem:$0x3FFC];
	_ =	sdelay $0x3  }
0x95: {  	_ =	strace s4  }
0x96: {  	s4 =	sld [smem:$0x3FFD];
	_ =	sdelay $0x3  }
0x97: {  	_ =	strace s4  }
0x98: {  	_ =	strace $0x8FFFFFFF  }
0x99: {  	s19 =	sld [smem:$0x3FDB];
	_ =	sdelay $0x1  }
0x9a: {  	s5 =	simm.s32 $_scs_section_size  }
0x9b: {  	s6 =	simm.s32 $_size__tile_overlayer_lowered;
	s7 =	simm.s32 $_tile_overlayer_lowered  }
0x9c: {  	s22 =	simm.s32 $0x1BFF;
	s21 =	sshll.u32 s7, $0x1;
	s4 =	sadd.s32 s5, s19  }
0x9d: {  	s8 =	simm.s32 $0x0;
	s20 =	sshll.u32 s6, $0x1;
	s6 =	sadd.s32 s21, s4  }
0x9e: {  	[timem:s8], [sflag:s22] =	dma.local [hbm:s6], s20  }
0x9f: {  	_ =	swait.ge [sflag:s22], s20  }
0xa0: {  	s5 =	ssub.s32 $0x0, s20;
	[sflag:s22] =	ssyncset.done $0x0  }
0xa1: {  	[sflag:s22] =	ssyncadd.s32 s5;
	_ =	sdelay $0x1  }
0xa2: {  	s23 =	simm.s32 $0x1B8B  }
0xa3: {  	_ =	swait.ge [sflag:s23], $0x1  }
0xa4: {  	[sflag:s23] =	ssyncset.done $0x0  }
0xa5: {  	s25 =	simm.s32 $0x1B8E;
	s24 =	sld [smem:$0x3FFE];
	[sflag:s23] =	ssyncadd.s32 $0xFFFFFFFF  }
0xa6: {  	s26 =	simm.s32 $execute0_lowered;
	[smem:$0x3FD2] =	sst s25  }
0xa7: {  	s6 =	sshll.u32 s26, $0x1;
	_ =	strace $0x80000046;
	[dreg:$0x1] =	wrdreg $0xFFFFFFFF  }
0xa8: {  	s28 =	simm.s32 $_size_execute0_lowered;
	s4 =	sadd.s32 s4, s6;
	[dreg:$0x0] =	wrdreg $0x0  }
0xa9: {  	s6 =	sshll.u32 s28, $0x1;
	[dreg:$0x2] =	wrdreg s4  }
0xaa: {  	[dreg:$0x3] =	wrdreg s6  }
0xab: {  	[dreg:$0x4] =	wrdreg $0xC0  }
0xac: {  	_ =	task [dreg:s8], $0x5FFFF  }
0xad: {  	[dreg:$0x1] =	wrdreg $0xFFFFFFFF  }
0xae: {  	[dreg:$0x0] =	wrdreg $0x60  }
0xaf: {  	[dreg:$0x2] =	wrdreg s24  }
0xb0: {  	[dreg:$0x3] =	wrdreg s2  }
0xb1: {  	[dreg:$0x4] =	wrdreg s18  }
0xb2: {  	[dreg:$0x5] =	wrdreg $0x11C800  }
0xb3: {  	[dreg:$0x6] =	wrdreg $0x9  }
0xb4: {  	_ =	task.clear_ibuf [dreg:s8], $0x7FFFF;
	_ =	strace $0x90000046  }
0xb5: {  	s29 =	simm.s32 $0x9;
	_ =	strace $0x80000048  }
0xb6: {  	_ =	swait.ge [sflag:s29], $0x1  }
0xb7: {  	[sflag:s29] =	ssyncadd.s32 $0xFFFFFFFF  }
0xb8: {  	_ =	strace $0x90000048  }
0xb9: {  	_ =	sfence  }
0xba: {  	s30 =	sld [smem:$0x0];
	_ =	sdelay $0x2  }
0xbb: {  	s31 =	sshll.u32 s1, $0xD;
	s1 =	sshrl.u32 s1, $0x2  }
0xbc: {  	s3 =	sand.u32 $0x4000, s31;
	s1 =	sadd.s32 s1, s30  }
0xbd: {  	s0 =	sor.u32 s3, s0;
	s1 =	sshll.u32 s1, $0x11  }
0xbe: {  	s0 =	sor.u32 s1, s0  }
0xbf: {  	s0 =	sadd.s32 $0x8F2B, s0  }
0xc0: {  	[sflag:s0] =	ssyncadd.remote.s32 $0x1  }
0xc1: {  	_ =	sfence.sel $0xFFFF  }
0xc2: {  	[dreg:$0x0] =	wrdreg $0xFFFFFFFF;
	(pc) =	sbr.abs _section_cstart, $3  }
0xc3: {  	[dreg:$0x1] =	wrdreg $0xFFFFFFFF  }
0xc4: {  	_ =	task.clear_ibuf [dreg:s8], $0x2FFFF;
	_ =	strace $0x9FFFFFFF  }
0xc5: {  	(tm) =	ssettm $0x7FFFFFFF  }
tec
execute0_lowered:
.L_overlay_start_1:
0x0: {  	(tag) =	ssettag $0x1  }
0x1: {  	s0 =	rddreg [dreg:$0x0]  }
0x2: {  	s1 =	rddreg [dreg:$0x1]  }
0x3: {  	s4 =	rddreg [dreg:$0x2]  }
0x4: {  	s2 =	rddreg [dreg:$0x3];
	s5 =	srdreg.scid  }
0x5: {  	s12 =	stileid.u32;
	s3 =	simm.s32 $0x0;
	s28 =	simm.s32 $0x4400  }
0x6: {  	s30 =	simm.s32 $0x7800;
	s31 =	simm.s32 $0x1;
	s29 =	simm.s32 $0x3  }
0x7: {  	s5 =	sand.u32 $0x1, s5;
	s6 =	sshll.u32 s12, $0x1;
	[smem:$0x7FF] =	sst s3  }
0x8: {  	s10 =	sadd.s32 $0x580, s1;
	s11 =	sadd.s32 $0x2C00, s2;
	s13 =	sshll.u32 s12, $0x7  }
0x9: {  	s24 =	smul.u32 $0x18600, s12;
	p0 =	sgt.u32 s12, $0xA;
	p2 =	sgt.u32 s12, $0x9  }
0xa: {  	s6 =	sor.u32 s5, s6;
	_ =	strace $0x80000047;
	[dreg:$0x6] =	wrdreg s10  }
0xb: {  	s8 =	ssub.s32 $0x2, s5;
	[dreg:$0x7] =	wrdreg s11;
	s10 =	sshll.u32 s12, $0xA  }
0xc: {  	s1 =	sadd.s32 s1, s13;
	s25 =	smul.u32 $0xC300, s5;
	p1 =	sne.s32 @p0 s12, $0xB  }
0xd: {  	s5 =	simm.s32 $0x4;
	s7 =	sshll.u32 s6, $0x9;
	s26 =	smul.u32 $0x61800, s6  }
0xe: {  	s9 =	sshrl.u32 s8, $0x1;
	s11 =	smul.u32 $0xC300, s6;
	[dreg:$0x8] =	wrdreg s1  }
0xf: {  	s14 =	sadd.s32 s10, s2;
	s23 =	sshll.u32 s6, $0x7;
	p1 =	por p1, !p0  }
0x10: {  	s1 =	simm.s32 $0xAC00;
	s10 =	simm.s32 $0xA;
	s7 =	sadd.s32 s7, s0  }
0x11: {  	s0 =	sadd.s32 s6, s0;
	s8 =	ssub.s32 s8, s9;
	[dreg:$0x9] =	wrdreg s14  }
0x12: {  	s6 =	simm.s32 $0x7;
	s9 =	simm.s32 $0x9;
	s7 =	sadd.s32 $0x600, s7  }
0x13: {  	s0 =	sadd.s32 $0x400, s0;
	s17 =	sadd.s32 s4, s11;
	[dreg:$0x5] =	wrdreg s7  }
0x14: {  	s11 =	simm.s32 $0x0;
	s7 =	sshrl.u32 s26, $0x3;
	[dreg:$0xa] =	wrdreg s0  }
0x15: {  	[dreg:$0xb] =	wrdreg s17;
	s0 =	sadd.s32 s23, s4;
	s15 =	sadd.s32 s4, s7  }
0x16: {  	s26 =	sadd.s32 s24, s4;
	s23 =	simm.s32 $0xB;
	s18 =	sadd.s32 $0x680, s15  }
0x17: {  	s24 =	simm.s32 $0x68;
	s19 =	sadd.s32 $0xD00, s15;
	[dreg:$0xc] =	wrdreg s18  }
0x18: {  	s4 =	simm.s32 $0x6;
	s20 =	sadd.s32 $0x1380, s15;
	[dreg:$0xd] =	wrdreg s19  }
0x19: {  	s7 =	simm.s32 $0x5;
	s21 =	sadd.s32 $0x1A00, s15;
	[dreg:$0xe] =	wrdreg s20  }
0x1a: {  	s22 =	sadd.s32 $0xA280, s15;
	s16 =	sadd.s32 $0xA900, s15;
	[dreg:$0xf] =	wrdreg s21  }
0x1b: {  	s17 =	sadd.s32 $0xAF80, s15;
	[dreg:$0x10] =	wrdreg s22;
	s18 =	sadd.s32 $0xB600, s15  }
0x1c: {  	s19 =	sadd.s32 $0xBC80, s15;
	s20 =	sadd.s32 $0x186000, s0;
	s21 =	smax.u32 s8, $0x1  }
0x1d: {  	s0 =	sadd.s32 s25, s26;
	s25 =	simm.s32 $0x1000;
	s26 =	simm.s32 $0x2  }
0x1e: {  	s8 =	simm.s32 $0x8;
	s22 =	sadd.s32 $0x2080, s0;
	s0 =	simm.s32 $0xE000  }
.LBB2_1:
0x1f: {  	s12 =	rddreg [dreg:$0x5]  }
0x20: {  	[tilespmem:s3], [sflag:$0xB] =	stream.linear.gather [hbm4b:s12+s3], $0xF00, $0x38;
	[tilespmem:$0x11F78] =	vst v63  }
0x21: {  	s13 =	simm.s32 @!p1 $0x11880;
	s14 =	rddreg [dreg:$0x6];
	s12 =	simm.s32 @!p1 $0x0  }
0x22: {  	[tilespmem:s13], [sflag:$0xC] =	stream.linear.gather @!p1 [hbm4b:s14+s12], $0x380, $0x38;
	[tilespmem:$0x11F78] =	vst v63  }
0x23: {  	s12 =	simm.s32 @!p1 $0xC  }
0x24: {  	_ =	swait.ge @!p1 [sflag:s12], $0x380  }
0x25: {  	[sflag:s12] =	ssyncset.done @!p1 $0x0  }
0x26: {  	s14 =	rddreg [dreg:$0x7];
	[sflag:s12] =	ssyncadd.s32 @!p1 $0xFFFFFC80  }
0x27: {  	[spmem:s14] =	stream.linear.scatter @!p1 [tilespmem:s13], [sflag:$0xC], $0x380, $0x38;
	[tilespmem:$0x11F78] =	vst v63  }
0x28: {  	_ =	swait.ge @!p1 [sflag:s12], $0x380  }
0x29: {  	s13 =	simm.s32 @!p0 $0x11880;
	[sflag:s12] =	ssyncset.done @!p1 $0x0  }
0x2a: {  	s14 =	rddreg [dreg:$0x8];
	[sflag:s12] =	ssyncadd.s32 @!p1 $0xFFFFFC80;
	s12 =	simm.s32 @!p0 $0x0  }
0x2b: {  	[tilespmem:s13], [sflag:$0xC] =	stream.linear.gather @!p0 [hbm4b:s14+s12], $0x400, $0x38;
	[tilespmem:$0x11F78] =	vst v63  }
0x2c: {  	s12 =	simm.s32 @!p0 $0xC  }
0x2d: {  	_ =	swait.ge @!p0 [sflag:s12], $0x400  }
0x2e: {  	[sflag:s12] =	ssyncset.done @!p0 $0x0  }
0x2f: {  	s14 =	rddreg [dreg:$0x9];
	[sflag:s12] =	ssyncadd.s32 @!p0 $0xFFFFFC00  }
0x30: {  	[spmem:s14] =	stream.linear.scatter @!p0 [tilespmem:s13], [sflag:$0xC], $0x400, $0x38;
	[tilespmem:$0x11F78] =	vst v63  }
0x31: {  	_ =	swait.ge @!p0 [sflag:s12], $0x400  }
0x32: {  	[sflag:s12] =	ssyncset.done @!p0 $0x0  }
0x33: {  	[sflag:s12] =	ssyncadd.s32 @!p0 $0xFFFFFC00  }
0x34: {  	[bflag:$0x0] =	sbarrier.arrive $0xFFFF  }
0x35: {  	_ =	swait.ge [sflag:s23], $0xF00  }
0x36: {  	s13 =	simm.s32 @!p2 $0x11400;
	[sflag:s23] =	ssyncset.done $0x0  }
0x37: {  	s12 =	simm.s32 @!p2 $0x0;
	s14 =	rddreg [dreg:$0xa];
	[sflag:s23] =	ssyncadd.s32 $0xFFFFF100  }
0x38: {  	[tilespmem:s13], [sflag:$0xC] =	stream.linear.gather @!p2 [hbm4b:s14+s12], $0x8, $0x38;
	[tilespmem:$0x11F78] =	vst v63  }
0x39: {  	s12 =	simm.s32 @!p2 $0xC  }
0x3a: {  	_ =	swait.ge @!p2 [sflag:s12], $0x8  }
0x3b: {  	[sflag:s12] =	ssyncset.done @!p2 $0x0  }
0x3c: {  	s14 =	simm.s32 @!p2 $0x11480;
	[sflag:s12] =	ssyncadd.s32 @!p2 $0xFFFFFFF8;
	s12 =	simm.s32 @!p2 $0x8  }
0x3d: {  	[tilespmem:s14], [sflag:$0xB] =	stream.indirect.gather @!p2 [spmem:s2], $0x80, s13, s12, $0xb8;
	[tilespmem:$0x11F78] =	vst v63  }
0x3e: {  	_ = 	snop  }
0x3f: {  	[tilespmem:s25], [sflag:$0x1] =	stream.indirect.gather [spmem:s2], $0x80, s3, s24, $0xb8;
	[tilespmem:$0x11F78] =	vst v63  }
0x40: {  	s15 =	simm.s32 $0x80  }
0x41: {  	[tilespmem:s28], [sflag:$0x2] =	stream.indirect.gather [spmem:s2], $0x80, s15, s24, $0xb8;
	[tilespmem:$0x11F78] =	vst v63  }
0x42: {  	s13 =	simm.s32 $0x100  }
0x43: {  	[tilespmem:s30], [sflag:$0x3] =	stream.indirect.gather [spmem:s2], $0x80, s13, s24, $0xb8;
	[tilespmem:$0x11F78] =	vst v63  }
0x44: {  	_ =	swait.ge [sflag:s31], $0x3400  }
0x45: {  	[sflag:s31] =	ssyncset.done $0x0  }
0x46: {  	s14 =	rddreg [dreg:$0xb];
	[sflag:s31] =	ssyncadd.s32 $0xFFFFCC00  }
0x47: {  	[hbm4b:s14+s3] =	stream.linear.scatter [tilespmem:s25], [sflag:$0x6], $0x3400, $0x38;
	[tilespmem:$0x11F78] =	vst v63  }
0x48: {  	s15 =	simm.s32 $0x180  }
0x49: {  	[tilespmem:s1], [sflag:$0x4] =	stream.indirect.gather [spmem:s2], $0x80, s15, s24, $0xb8;
	[tilespmem:$0x11F78] =	vst v63  }
0x4a: {  	_ =	swait.ge [sflag:s26], $0x3400  }
0x4b: {  	[sflag:s26] =	ssyncset.done $0x0  }
0x4c: {  	s13 =	rddreg [dreg:$0xc];
	[sflag:s26] =	ssyncadd.s32 $0xFFFFCC00  }
0x4d: {  	[hbm4b:s13+s3] =	stream.linear.scatter [tilespmem:s28], [sflag:$0x7], $0x3400, $0x38;
	[tilespmem:$0x11F78] =	vst v63  }
0x4e: {  	s14 =	simm.s32 $0x200  }
0x4f: {  	[tilespmem:s0], [sflag:$0x5] =	stream.indirect.gather [spmem:s2], $0x80, s14, s24, $0xb8;
	[tilespmem:$0x11F78] =	vst v63  }
0x50: {  	_ =	swait.ge [sflag:s29], $0x3400  }
0x51: {  	[sflag:s29] =	ssyncset.done $0x0  }
0x52: {  	s15 =	rddreg [dreg:$0xd];
	[sflag:s29] =	ssyncadd.s32 $0xFFFFCC00  }
0x53: {  	[hbm4b:s15+s3] =	stream.linear.scatter [tilespmem:s30], [sflag:$0x8], $0x3400, $0x38;
	[tilespmem:$0x11F78] =	vst v63  }
0x54: {  	_ =	swait.ge [sflag:s4], $0x3400  }
0x55: {  	[sflag:s4] =	ssyncset.done $0x0  }
0x56: {  	s13 =	simm.s32 $0x280;
	[sflag:s4] =	ssyncadd.s32 $0xFFFFCC00  }
0x57: {  	[tilespmem:s25], [sflag:$0x1] =	stream.indirect.gather [spmem:s2], $0x80, s13, s24, $0xb8;
	[tilespmem:$0x11F78] =	vst v63  }
0x58: {  	_ =	swait.ge [sflag:s5], $0x3400  }
0x59: {  	[sflag:s5] =	ssyncset.done $0x0  }
0x5a: {  	s14 =	rddreg [dreg:$0xe];
	[sflag:s5] =	ssyncadd.s32 $0xFFFFCC00  }
0x5b: {  	[hbm4b:s14+s3] =	stream.linear.scatter [tilespmem:s1], [sflag:$0x9], $0x3400, $0x38;
	[tilespmem:$0x11F78] =	vst v63  }
0x5c: {  	_ =	swait.ge [sflag:s6], $0x3400  }
0x5d: {  	[sflag:s6] =	ssyncset.done $0x0  }
0x5e: {  	s15 =	simm.s32 $0x300;
	[sflag:s6] =	ssyncadd.s32 $0xFFFFCC00  }
0x5f: {  	[tilespmem:s28], [sflag:$0x2] =	stream.indirect.gather [spmem:s2], $0x80, s15, s24, $0xb8;
	[tilespmem:$0x11F78] =	vst v63  }
0x60: {  	_ =	swait.ge [sflag:s7], $0x3400  }
0x61: {  	[sflag:s7] =	ssyncset.done $0x0  }
0x62: {  	s13 =	rddreg [dreg:$0xf];
	[sflag:s7] =	ssyncadd.s32 $0xFFFFCC00  }
0x63: {  	[hbm4b:s13+s3] =	stream.linear.scatter [tilespmem:s0], [sflag:$0xA], $0x3400, $0x38;
	[tilespmem:$0x11F78] =	vst v63  }
0x64: {  	_ =	swait.ge [sflag:s8], $0x3400  }
0x65: {  	[sflag:s8] =	ssyncset.done $0x0  }
0x66: {  	s14 =	simm.s32 $0x380;
	[sflag:s8] =	ssyncadd.s32 $0xFFFFCC00  }
0x67: {  	[tilespmem:s30], [sflag:$0x3] =	stream.indirect.gather [spmem:s2], $0x80, s14, s24, $0xb8;
	[tilespmem:$0x11F78] =	vst v63  }
0x68: {  	_ =	swait.ge [sflag:s31], $0x3400  }
0x69: {  	[sflag:s31] =	ssyncset.done $0x0  }
0x6a: {  	[sflag:s31] =	ssyncadd.s32 $0xFFFFCC00  }
0x6b: {  	[hbm4b:s22+s3] =	stream.linear.scatter [tilespmem:s25], [sflag:$0x6], $0x3400, $0x38;
	[tilespmem:$0x11F78] =	vst v63  }
0x6c: {  	_ =	swait.ge [sflag:s9], $0x3400  }
0x6d: {  	[sflag:s9] =	ssyncset.done $0x0  }
0x6e: {  	s15 =	simm.s32 $0x400;
	[sflag:s9] =	ssyncadd.s32 $0xFFFFCC00  }
0x6f: {  	[tilespmem:s1], [sflag:$0x4] =	stream.indirect.gather [spmem:s2], $0x80, s15, s24, $0xb8;
	[tilespmem:$0x11F78] =	vst v63  }
0x70: {  	_ =	swait.ge [sflag:s26], $0x3400  }
0x71: {  	[sflag:s26] =	ssyncset.done $0x0  }
0x72: {  	s13 =	sadd.s32 $0x680, s22;
	[sflag:s26] =	ssyncadd.s32 $0xFFFFCC00  }
0x73: {  	[hbm4b:s13+s3] =	stream.linear.scatter [tilespmem:s28], [sflag:$0x7], $0x3400, $0x38;
	[tilespmem:$0x11F78] =	vst v63  }
0x74: {  	_ =	swait.ge [sflag:s10], $0x3400  }
0x75: {  	[sflag:s10] =	ssyncset.done $0x0  }
0x76: {  	s14 =	simm.s32 $0x480;
	[sflag:s10] =	ssyncadd.s32 $0xFFFFCC00  }
0x77: {  	[tilespmem:s0], [sflag:$0x5] =	stream.indirect.gather [spmem:s2], $0x80, s14, s24, $0xb8;
	[tilespmem:$0x11F78] =	vst v63  }
0x78: {  	_ =	swait.ge [sflag:s29], $0x3400  }
0x79: {  	[sflag:s29] =	ssyncset.done $0x0  }
0x7a: {  	s15 =	sadd.s32 $0xD00, s22;
	[sflag:s29] =	ssyncadd.s32 $0xFFFFCC00  }
0x7b: {  	[hbm4b:s15+s3] =	stream.linear.scatter [tilespmem:s30], [sflag:$0x8], $0x3400, $0x38;
	[tilespmem:$0x11F78] =	vst v63  }
0x7c: {  	_ =	swait.ge [sflag:s4], $0x3400  }
0x7d: {  	[sflag:s4] =	ssyncset.done $0x0  }
0x7e: {  	s13 =	simm.s32 $0x500;
	[sflag:s4] =	ssyncadd.s32 $0xFFFFCC00  }
0x7f: {  	[tilespmem:s25], [sflag:$0x1] =	stream.indirect.gather [spmem:s2], $0x80, s13, s24, $0xb8;
	[tilespmem:$0x11F78] =	vst v63  }
0x80: {  	_ =	swait.ge [sflag:s5], $0x3400  }
0x81: {  	[sflag:s5] =	ssyncset.done $0x0  }
0x82: {  	s14 =	sadd.s32 $0x1380, s22;
	[sflag:s5] =	ssyncadd.s32 $0xFFFFCC00  }
0x83: {  	[hbm4b:s14+s3] =	stream.linear.scatter [tilespmem:s1], [sflag:$0x9], $0x3400, $0x38;
	[tilespmem:$0x11F78] =	vst v63  }
0x84: {  	_ =	swait.ge [sflag:s6], $0x3400  }
0x85: {  	[sflag:s6] =	ssyncset.done $0x0  }
0x86: {  	s15 =	simm.s32 $0x580;
	[sflag:s6] =	ssyncadd.s32 $0xFFFFCC00  }
0x87: {  	[tilespmem:s28], [sflag:$0x2] =	stream.indirect.gather [spmem:s2], $0x80, s15, s24, $0xb8;
	[tilespmem:$0x11F78] =	vst v63  }
0x88: {  	_ =	swait.ge [sflag:s7], $0x3400  }
0x89: {  	s12 =	simm.s32 $0xA00;
	[sflag:s7] =	ssyncset.done $0x0  }
0x8a: {  	s13 =	sadd.s32 $0x2080, s22;
	s14 =	sadd.s32 $0x1A00, s22;
	[sflag:s7] =	ssyncadd.s32 $0xFFFFCC00  }
.LBB2_2:
0x8b: {  	[hbm4b:s14+s3] =	stream.linear.scatter [tilespmem:s0], [sflag:$0xA], $0x3400, $0x38;
	[tilespmem:$0x11F78] =	vst v63  }
0x8c: {  	s14 =	smov.u32 s12  }
0x8d: {  	p3 =	sne.s32 s12, $0x1E00;
	s12 =	sadd.s32 $0xA00, s12;
	_ =	swait.ge [sflag:s8], $0x3400  }
0x8e: {  	s14 =	sshra.s32 s14, $0x2;
	[sflag:s8] =	ssyncset.done $0x0  }
0x8f: {  	s15 =	sadd.s32 $0x380, s14;
	[sflag:s8] =	ssyncadd.s32 $0xFFFFCC00  }
0x90: {  	[tilespmem:s30], [sflag:$0x3] =	stream.indirect.gather [spmem:s2], $0x80, s15, s24, $0xb8;
	[tilespmem:$0x11F78] =	vst v63  }
0x91: {  	_ =	swait.ge [sflag:s31], $0x3400  }
0x92: {  	[sflag:s31] =	ssyncset.done $0x0  }
0x93: {  	[sflag:s31] =	ssyncadd.s32 $0xFFFFCC00  }
0x94: {  	[hbm4b:s13+s3] =	stream.linear.scatter [tilespmem:s25], [sflag:$0x6], $0x3400, $0x38;
	[tilespmem:$0x11F78] =	vst v63  }
0x95: {  	_ =	swait.ge [sflag:s9], $0x3400  }
0x96: {  	[sflag:s9] =	ssyncset.done $0x0  }
0x97: {  	s15 =	sadd.s32 $0x400, s14;
	[sflag:s9] =	ssyncadd.s32 $0xFFFFCC00  }
0x98: {  	[tilespmem:s1], [sflag:$0x4] =	stream.indirect.gather [spmem:s2], $0x80, s15, s24, $0xb8;
	[tilespmem:$0x11F78] =	vst v63  }
0x99: {  	_ =	swait.ge [sflag:s26], $0x3400  }
0x9a: {  	[sflag:s26] =	ssyncset.done $0x0  }
0x9b: {  	s15 =	sadd.s32 $0x680, s13;
	[sflag:s26] =	ssyncadd.s32 $0xFFFFCC00  }
0x9c: {  	[hbm4b:s15+s3] =	stream.linear.scatter [tilespmem:s28], [sflag:$0x7], $0x3400, $0x38;
	[tilespmem:$0x11F78] =	vst v63  }
0x9d: {  	_ =	swait.ge [sflag:s10], $0x3400  }
0x9e: {  	[sflag:s10] =	ssyncset.done $0x0  }
0x9f: {  	s15 =	sadd.s32 $0x480, s14;
	[sflag:s10] =	ssyncadd.s32 $0xFFFFCC00  }
0xa0: {  	[tilespmem:s0], [sflag:$0x5] =	stream.indirect.gather [spmem:s2], $0x80, s15, s24, $0xb8;
	[tilespmem:$0x11F78] =	vst v63  }
0xa1: {  	_ =	swait.ge [sflag:s29], $0x3400  }
0xa2: {  	[sflag:s29] =	ssyncset.done $0x0  }
0xa3: {  	s15 =	sadd.s32 $0xD00, s13;
	[sflag:s29] =	ssyncadd.s32 $0xFFFFCC00  }
0xa4: {  	[hbm4b:s15+s3] =	stream.linear.scatter [tilespmem:s30], [sflag:$0x8], $0x3400, $0x38;
	[tilespmem:$0x11F78] =	vst v63  }
0xa5: {  	_ =	swait.ge [sflag:s4], $0x3400  }
0xa6: {  	[sflag:s4] =	ssyncset.done $0x0  }
0xa7: {  	s15 =	sadd.s32 $0x500, s14;
	[sflag:s4] =	ssyncadd.s32 $0xFFFFCC00  }
0xa8: {  	[tilespmem:s25], [sflag:$0x1] =	stream.indirect.gather [spmem:s2], $0x80, s15, s24, $0xb8;
	[tilespmem:$0x11F78] =	vst v63  }
0xa9: {  	_ =	swait.ge [sflag:s5], $0x3400  }
0xaa: {  	[sflag:s5] =	ssyncset.done $0x0  }
0xab: {  	s15 =	sadd.s32 $0x1380, s13;
	[sflag:s5] =	ssyncadd.s32 $0xFFFFCC00  }
0xac: {  	[hbm4b:s15+s3] =	stream.linear.scatter [tilespmem:s1], [sflag:$0x9], $0x3400, $0x38;
	[tilespmem:$0x11F78] =	vst v63  }
0xad: {  	_ =	swait.ge [sflag:s6], $0x3400  }
0xae: {  	[sflag:s6] =	ssyncset.done $0x0  }
.Ltmp0:
0xaf: {  	s14 =	sadd.s32 $0x580, s14;
	[sflag:s6] =	ssyncadd.s32 $0xFFFFCC00;
	(pc) =	sbr.rel @p3 .LBB2_2-.Ltmp0, $4  }
0xb0: {  	[tilespmem:s28], [sflag:$0x2] =	stream.indirect.gather [spmem:s2], $0x80, s14, s24, $0xb8;
	[tilespmem:$0x11F78] =	vst v63  }
0xb1: {  	_ =	swait.ge [sflag:s7], $0x3400  }
0xb2: {  	[sflag:s7] =	ssyncset.done $0x0  }
0xb3: {  	s14 =	sadd.s32 $0x1A00, s13;
	s13 =	sadd.s32 $0x2080, s13;
	[sflag:s7] =	ssyncadd.s32 $0xFFFFCC00  }
0xb4: {  	[hbm4b:s14+s3] =	stream.linear.scatter [tilespmem:s0], [sflag:$0xA], $0x3400, $0x38;
	[tilespmem:$0x11F78] =	vst v63  }
0xb5: {  	_ =	swait.ge [sflag:s8], $0x3400  }
0xb6: {  	[sflag:s8] =	ssyncset.done $0x0  }
0xb7: {  	s12 =	simm.s32 $0xD80;
	[sflag:s8] =	ssyncadd.s32 $0xFFFFCC00  }
0xb8: {  	[tilespmem:s30], [sflag:$0x3] =	stream.indirect.gather [spmem:s2], $0x80, s12, s24, $0xb8;
	[tilespmem:$0x11F78] =	vst v63  }
0xb9: {  	_ =	swait.ge [sflag:s31], $0x3400  }
0xba: {  	[sflag:s31] =	ssyncset.done $0x0  }
0xbb: {  	s13 =	rddreg [dreg:$0x10];
	[sflag:s31] =	ssyncadd.s32 $0xFFFFCC00  }
0xbc: {  	[hbm4b:s13+s3] =	stream.linear.scatter [tilespmem:s25], [sflag:$0x6], $0x3400, $0x38;
	[tilespmem:$0x11F78] =	vst v63  }
0xbd: {  	_ =	swait.ge [sflag:s9], $0x3400  }
0xbe: {  	[sflag:s9] =	ssyncset.done $0x0  }
0xbf: {  	s14 =	simm.s32 $0xE00;
	[sflag:s9] =	ssyncadd.s32 $0xFFFFCC00  }
0xc0: {  	[tilespmem:s1], [sflag:$0x4] =	stream.indirect.gather [spmem:s2], $0x80, s14, s24, $0xb8;
	[tilespmem:$0x11F78] =	vst v63  }
0xc1: {  	_ =	swait.ge [sflag:s26], $0x3400  }
0xc2: {  	[sflag:s26] =	ssyncset.done $0x0  }
0xc3: {  	[sflag:s26] =	ssyncadd.s32 $0xFFFFCC00  }
0xc4: {  	[hbm4b:s16+s3] =	stream.linear.scatter [tilespmem:s28], [sflag:$0x7], $0x3400, $0x38;
	[tilespmem:$0x11F78] =	vst v63  }
0xc5: {  	_ =	swait.ge [sflag:s10], $0x3400  }
0xc6: {  	[sflag:s10] =	ssyncset.done $0x0  }
0xc7: {  	s15 =	simm.s32 $0xE80;
	[sflag:s10] =	ssyncadd.s32 $0xFFFFCC00  }
0xc8: {  	[tilespmem:s0], [sflag:$0x5] =	stream.indirect.gather [spmem:s2], $0x80, s15, s24, $0xb8;
	[tilespmem:$0x11F78] =	vst v63  }
0xc9: {  	_ =	swait.ge [sflag:s29], $0x3400  }
0xca: {  	[sflag:s29] =	ssyncset.done $0x0  }
0xcb: {  	[sflag:s29] =	ssyncadd.s32 $0xFFFFCC00  }
0xcc: {  	[hbm4b:s17+s3] =	stream.linear.scatter [tilespmem:s30], [sflag:$0x8], $0x3400, $0x38;
	[tilespmem:$0x11F78] =	vst v63  }
0xcd: {  	_ =	swait.ge [sflag:s4], $0x3400  }
0xce: {  	[sflag:s4] =	ssyncset.done $0x0  }
0xcf: {  	[sflag:s4] =	ssyncadd.s32 $0xFFFFCC00  }
0xd0: {  	_ =	swait.ge [sflag:s5], $0x3400  }
0xd1: {  	[sflag:s5] =	ssyncset.done $0x0  }
0xd2: {  	[sflag:s5] =	ssyncadd.s32 $0xFFFFCC00  }
0xd3: {  	[hbm4b:s18+s3] =	stream.linear.scatter [tilespmem:s1], [sflag:$0x9], $0x3400, $0x38;
	[tilespmem:$0x11F78] =	vst v63  }
0xd4: {  	_ =	swait.ge [sflag:s6], $0x3400  }
0xd5: {  	[sflag:s6] =	ssyncset.done $0x0  }
0xd6: {  	[sflag:s6] =	ssyncadd.s32 $0xFFFFCC00  }
0xd7: {  	_ =	swait.ge [sflag:s7], $0x3400  }
0xd8: {  	[sflag:s7] =	ssyncset.done $0x0  }
0xd9: {  	s12 =	simm.s32 @!p2 $0xB;
	[sflag:s7] =	ssyncadd.s32 $0xFFFFCC00  }
0xda: {  	[hbm4b:s19+s3] =	stream.linear.scatter [tilespmem:s0], [sflag:$0xA], $0x3400, $0x38;
	[tilespmem:$0x11F78] =	vst v63  }
0xdb: {  	_ =	swait.ge @!p2 [sflag:s12], $0x400  }
0xdc: {  	[sflag:s12] =	ssyncset.done @!p2 $0x0  }
0xdd: {  	s13 =	simm.s32 @!p2 $0x11480;
	[sflag:s12] =	ssyncadd.s32 @!p2 $0xFFFFFC00;
	s12 =	simm.s32 @!p2 $0x0  }
0xde: {  	[hbm4b:s20+s12] =	stream.linear.scatter @!p2 [tilespmem:s13], [sflag:$0xC], $0x400, $0x38;
	[tilespmem:$0x11F78] =	vst v63  }
0xdf: {  	s12 =	simm.s32 @!p2 $0xC  }
0xe0: {  	_ =	swait.ge @!p2 [sflag:s12], $0x400  }
0xe1: {  	[sflag:s12] =	ssyncset.done @!p2 $0x0  }
0xe2: {  	[sflag:s12] =	ssyncadd.s32 @!p2 $0xFFFFFC00  }
0xe3: {  	_ =	swait.ge [sflag:s8], $0x3400  }
0xe4: {  	[sflag:s8] =	ssyncset.done $0x0  }
0xe5: {  	s11 =	sadd.s32 $0x1, s11;
	[sflag:s8] =	ssyncadd.s32 $0xFFFFCC00  }
0xe6: {  	p3 =	sne.s32 s11, s21;
	_ =	swait.ge [sflag:s9], $0x3400  }
.Ltmp1:
0xe7: {  	[sflag:s9] =	ssyncset.done $0x0;
	(pc) =	sbr.rel @p3 .LBB2_1-.Ltmp1, $4  }
0xe8: {  	[sflag:s9] =	ssyncadd.s32 $0xFFFFCC00  }
0xe9: {  	_ =	swait.ge [sflag:s10], $0x3400  }
0xea: {  	[sflag:s10] =	ssyncset.done $0x0  }
0xeb: {  	[sflag:s10] =	ssyncadd.s32 $0xFFFFCC00  }
0xec: {  	_ =	sfence.sel $0x180000  }
0xed: {  	[bflag:$0x0] =	sbarrier.arrive $0xFFFF  }
0xee: {  	_ =	strace $0x90000047  }
0xef: {  	s0 =	stileid.u32;
	[bflag:$0x2] =	sbarrier.arrive $0xFFFF  }
0xf0: {  	p0 =	sne.s32 s0, $0x0;
	s0 =	rddreg [dreg:$0x4]  }
0xf1: {  	s0 =	sadd.s32 @!p0 $0x100000, s0  }
0xf2: {  	[sflag:s0] =	ssyncadd.tile.s32 @!p0 $0x1;
	_ =	shalt  }
.Lfunc_end2:
_tile_overlayer_lowered:
.L_overlay_start_2:
0xf3: {  	(tag) =	ssettag $0x2  }
0xf4: {  	s0 =	rddreg [dreg:$0x0];
	s2 =	stileid.u32  }
0xf5: {  	s1 =	rddreg [dreg:$0x1];
	p0 =	sne.s32 s2, $0x0  }
0xf6: {  	s3 =	rddreg [dreg:$0x2];
	[bflag:$0x3] =	sbarrier.arrive $0xFFFF;
	s2 =	simm.s32 @!p0 $0x1C0C  }
0xf7: {  	[timem:s3], [sflag:s2] =	dma.local @!p0 [hbm:s0], s1  }
0xf8: {  	s0 =	simm.s32 @!p0 $0xC  }
0xf9: {  	_ =	swait.ge @!p0 [sflag:s0], s1  }
0xfa: {  	s1 =	ssub.s32 @!p0 $0x0, s1;
	[sflag:s0] =	ssyncset.done @!p0 $0x0  }
0xfb: {  	[sflag:s0] =	ssyncadd.s32 @!p0 s1  }
0xfc: {  	[bflag:$0x3] =	sbarrier.arrive $0xFFFF  }
0xfd: {  	_ =	shalt  }

</sc_bundles>
